<compile_context>
chip_gen: v7x
topology: tpu7x:2x2x1
jax: 0.10.2.dev20260603
libtpu: 0.0.44.dev20260713+nightly
codegen_flags: <defaults>
</compile_context>

<pallas_src>
import functools

import jax
import jax.numpy as jnp
from jax import lax
from jax.experimental import pallas as pl
from jax.experimental.pallas import tpu as pltpu
from jax.experimental.pallas import tpu_sc as plsc

_D = 8192
_NC = 1
_NS = 16
_NW = _NC * _NS
_CHUNK = _D // _NW
_LANES = 16
_TARGET_BIT = 2048
_CTRL_WBIT = 4096 // _CHUNK

_INV2PI = 0.15915494309189535
_PI2_HI = 6.28125
_PI2_LO = 0.0019353071795864769


def _sincos_vec(theta):
    r = theta * _INV2PI
    half = jnp.where(r >= 0.0, 0.5, -0.5).astype(jnp.float32)
    k = lax.convert_element_type(
        lax.convert_element_type(r + half, jnp.int32), jnp.float32)
    tr = (theta - k * _PI2_HI) - k * _PI2_LO
    u = tr * 0.5
    u2 = u * u
    s = u * (1.0 + u2 * (-1.0 / 6.0 + u2 * (1.0 / 120.0 + u2 * (
        -1.0 / 5040.0 + u2 * (1.0 / 362880.0)))))
    c = 1.0 + u2 * (-0.5 + u2 * (1.0 / 24.0 + u2 * (-1.0 / 720.0 + u2 * (
        1.0 / 40320.0 - u2 * (1.0 / 3628800.0)))))
    return 2.0 * s * c, 1.0 - 2.0 * s * s


def _crx_sc(x_hbm, ang_hbm, re_hbm, im_hbm,
            ang_v, xa_v, re_v, im_v, ld_sem, st_sem):
    cid = lax.axis_index("c")
    sid = lax.axis_index("s")
    wid = sid * _NC + cid
    base = pl.multiple_of(wid * _CHUNK, _CHUNK)
    pbase = pl.multiple_of(lax.bitwise_xor(base, _TARGET_BIT), _CHUNK)

    ld_a = pltpu.async_copy(ang_hbm, ang_v, ld_sem)
    ld_x = pltpu.async_copy(x_hbm.at[pl.ds(base, _CHUNK)], xa_v, ld_sem)
    ld_a.wait()
    ld_x.wait()

    is_ctrl = lax.bitwise_and(wid, _CTRL_WBIT) > 0
    gate = jnp.where(is_ctrl, 0.5, 0.0).astype(jnp.float32)
    theta = ang_v[...] * gate
    sin_t, cos_t = _sincos_vec(theta)
    neg_sin = -sin_t

    for i in range(_CHUNK // _LANES):
        sl = pl.ds(i * _LANES, _LANES)
        re_v[sl] = cos_t * xa_v[sl]
        im_v[sl] = neg_sin * xa_v[sl]

    st_r = pltpu.async_copy(re_v, re_hbm.at[pl.ds(base, _CHUNK)], st_sem)
    st_i = pltpu.async_copy(im_v, im_hbm.at[pl.ds(pbase, _CHUNK)], st_sem)
    st_r.wait()
    st_i.wait()


@jax.jit
def _crx_call(xf, ang16):
    mesh = plsc.VectorSubcoreMesh(core_axis_name="c", subcore_axis_name="s", num_cores=1)
    run = functools.partial(
        pl.kernel,
        mesh=mesh,
        out_type=(
            jax.ShapeDtypeStruct((_D,), jnp.float32),
            jax.ShapeDtypeStruct((_D,), jnp.float32),
        ),
        scratch_types=[
            pltpu.VMEM((_LANES,), jnp.float32),
            pltpu.VMEM((_CHUNK,), jnp.float32),
            pltpu.VMEM((_CHUNK,), jnp.float32),
            pltpu.VMEM((_CHUNK,), jnp.float32),
            pltpu.SemaphoreType.DMA,
            pltpu.SemaphoreType.DMA,
        ],
    )(_crx_sc)
    return run(xf, ang16)


def kernel(x, angle):
    xf = x.reshape(_D)
    ang16 = jnp.broadcast_to(angle.astype(jnp.float32), (_LANES,))
    re, im = _crx_call(xf, ang16)
    return lax.complex(re, im).reshape(_D, 1)

# --- scband reference (transcript-rebuilt; emitter-appended) ---
"""Pipeline reference for scband-crx-50259707298075 (READ-ONLY COPY).

The authoritative reference and input builder live on the scoring server;
editing this copy changes nothing except your own understanding.
"""

import jax, jax.numpy as jnp
import numpy as np

DIM = 2
WIRES = 13
C, T = 0, 1
J, K = 1, 2
D = DIM ** WIRES


def _static_indices():
    # Vectorized, faithful reproduction of the per-m loop:
    #   local = dec2den(m, wires-1, dim); insert digit v at position t; den2dec
    # insert-digit identity: val = (m // d**s) * d**(s+1) + v * d**s + (m % d**s), s = wires-1-t
    d, W = DIM, WIRES
    Dl = D // d
    s = W - 1 - T
    m = np.arange(Dl, dtype=np.int64)
    H = m // (d ** s)
    L = m % (d ** s)
    intj = H * d ** (s + 1) + (J - 1) * d ** s + L
    intk = H * d ** (s + 1) + (K - 1) * d ** s + L
    # wires != 2 branch: angle factor is local[c]
    localc = (m // (d ** (W - 2 - C))) % d
    rows = np.concatenate([intj, intk, intj, intk])
    cols = np.concatenate([intj, intk, intk, intj])
    extra = [l for l in range(d) if l != J - 1 and l != K - 1]
    diag = [H * d ** (s + 1) + l * d ** s + L for l in extra]
    if diag:
        dg = np.concatenate(diag)
        rows = np.concatenate([rows, dg])
        cols = np.concatenate([cols, dg])
        n_extra = dg.shape[0]
    else:
        n_extra = 0
    mask = (rows >= 0) & (cols >= 0)
    return rows, cols, mask, localc, n_extra


def _build_U(angle, rows, cols, mask, localc, n_extra):
    ang = jnp.asarray(localc, dtype=jnp.float32) * angle[0] / 2.0
    cosv = jnp.cos(ang).astype(jnp.complex64)
    sinv = jnp.sin(ang).astype(jnp.complex64)
    vals = jnp.concatenate([cosv, cosv, -1j * sinv, -1j * sinv])
    if n_extra > 0:
        vals = jnp.concatenate([vals, jnp.ones((n_extra,), jnp.complex64)])
    keep = np.nonzero(mask)[0]
    vals = vals[keep]
    r = rows[mask]
    c = cols[mask]
    # torch: U.index_put_(tuple(indices), values)  -> scatter-overwrite
    U = jnp.zeros((D, D), dtype=jnp.complex64).at[r, c].set(vals)
    return U


def setup_inputs(seed: int = 0):
    key = jax.random.key(seed)
    k1, k2 = jax.random.split(key)
    x = jax.random.normal(k1, (D, 1), dtype=jnp.float32)
    # learned parameter: self.angle = nn.Parameter(pi * randn(1))
    angle = np.pi * jax.random.normal(k2, (1,), dtype=jnp.float32)
    return {"x": x, "angle": angle}


def reference(x, angle):
    rows, cols, mask, localc, n_extra = _static_indices()
    U = _build_U(angle, rows, cols, mask, localc, n_extra)
    return U @ x.astype(jnp.complex64)

if __name__ == "__main__":
    import jax
    _d = setup_inputs()
    print(jax.jit(kernel)(*tuple(_d.values())))

</pallas_src>

<mosaic_0001>
#map = affine_map<(d0, d1) -> (0)>
module attributes {stable_mosaic.version = 14 : i64} {
  func.func @_crx_sc(%arg0: i32, %arg1: i32, %arg2: memref<8192xf32, #tpu.memory_space<hbm>>, %arg3: memref<16xf32, #tpu.memory_space<hbm>>, %arg4: memref<8192xf32, #tpu.memory_space<hbm>>, %arg5: memref<8192xf32, #tpu.memory_space<hbm>>, %arg6: memref<16xf32, #tpu.memory_space<vmem>>, %arg7: memref<512xf32, #tpu.memory_space<vmem>>, %arg8: memref<512xf32, #tpu.memory_space<vmem>>, %arg9: memref<512xf32, #tpu.memory_space<vmem>>, %arg10: memref<!tpu.dma_semaphore, #tpu.memory_space<semaphore_mem>>, %arg11: memref<!tpu.dma_semaphore, #tpu.memory_space<semaphore_mem>>) attributes {dimension_semantics = [#tpu.dimension_semantics<core_parallel>, #tpu.dimension_semantics<subcore_parallel>], iteration_bounds = array<i64: 1, 16>, scalar_prefetch = 0 : i64, scratch_operands = 6 : i64, tpu.core_type = #tpu.core_type<sc_vector_subcore>, window_params = [{transform_indices = #map}, {transform_indices = #map}, {transform_indices = #map}, {transform_indices = #map}]} {
    %mul3A = arith.constant 1 : i32
    %mul3A_0 = arith.muli %arg1, %mul3A : i32
    %add3A = arith.addi %mul3A_0, %arg0 : i32
    %mul3A_1 = arith.constant 512 : i32
    %mul3A_2 = arith.muli %add3A, %mul3A_1 : i32
    %multiple_of3A = tpu.assume_multiple %mul3A_2, 512 : i32
    %xor3A = arith.constant 2048 : i32
    %xor3A_3 = arith.xori %multiple_of3A, %xor3A : i32
    %multiple_of3A_4 = tpu.assume_multiple %xor3A_3, 512 : i32
    tpu.enqueue_dma source(%arg3 : memref<16xf32, #tpu.memory_space<hbm>>) target(%arg6 : memref<16xf32, #tpu.memory_space<vmem>>) target_semaphore(%arg10 : memref<!tpu.dma_semaphore, #tpu.memory_space<semaphore_mem>>)
    %dma_start3A = tpu.memref_slice %arg2[%multiple_of3A] : memref<8192xf32, #tpu.memory_space<hbm>> -> memref<512xf32, #tpu.memory_space<hbm>>
    %dma_start3A_5 = tpu.memref_slice %arg2[%multiple_of3A] : memref<8192xf32, #tpu.memory_space<hbm>> -> memref<512xf32, #tpu.memory_space<hbm>>
    tpu.enqueue_dma source(%dma_start3A_5 : memref<512xf32, #tpu.memory_space<hbm>>) target(%arg7 : memref<512xf32, #tpu.memory_space<vmem>>) target_semaphore(%arg10 : memref<!tpu.dma_semaphore, #tpu.memory_space<semaphore_mem>>)
    tpu.wait_dma2 semaphore(%arg10 : memref<!tpu.dma_semaphore, #tpu.memory_space<semaphore_mem>>) src(%arg3 : memref<16xf32, #tpu.memory_space<hbm>>) dst(%arg6 : memref<16xf32, #tpu.memory_space<vmem>>)
    %dma_wait3A = tpu.memref_slice %arg2[%multiple_of3A] : memref<8192xf32, #tpu.memory_space<hbm>> -> memref<512xf32, #tpu.memory_space<hbm>>
    %dma_wait3A_6 = tpu.memref_slice %arg2[%multiple_of3A] : memref<8192xf32, #tpu.memory_space<hbm>> -> memref<512xf32, #tpu.memory_space<hbm>>
    tpu.wait_dma2 semaphore(%arg10 : memref<!tpu.dma_semaphore, #tpu.memory_space<semaphore_mem>>) src(%dma_wait3A_6 : memref<512xf32, #tpu.memory_space<hbm>>) dst(%arg7 : memref<512xf32, #tpu.memory_space<vmem>>)
    %and3A = arith.constant 8 : i32
    %and3A_7 = arith.andi %add3A, %and3A : i32
    %gt3A = arith.constant 0 : i32
    %gt3A_8 = arith.cmpi sgt, %and3A_7, %gt3A : i32
    %jit3A = arith.constant 5.000000e-01 : f32
    %jit3A_9 = arith.constant 0.000000e+00 : f32
    %select_n3A = arith.select %gt3A_8, %jit3A, %jit3A_9 : f32
    %get3A = arith.constant 0 : index
    %get3A_10 = tpu.vector_load %arg6[%get3A] {strides = array<i32>} : memref<16xf32, #tpu.memory_space<vmem>>, vector<16xf32>,
    %get3A_11 = vector.shape_cast %get3A_10 : vector<16xf32> to vector<16xf32>
    %mul3A_12 = vector.broadcast %select_n3A : f32 to vector<16xf32>
    %mul3A_13 = arith.mulf %get3A_11, %mul3A_12 : vector<16xf32>
    %mul3A_14 = arith.constant 0.159154937 : f32
    %mul3A_15 = vector.broadcast %mul3A_14 : f32 to vector<16xf32>
    %mul3A_16 = arith.mulf %mul3A_13, %mul3A_15 : vector<16xf32>
    %ge3A = arith.constant 0.000000e+00 : f32
    %ge3A_17 = vector.broadcast %ge3A : f32 to vector<16xf32>
    %ge3A_18 = arith.cmpf oge, %mul3A_16, %ge3A_17 : vector<16xf32>
    %jit3A_19 = arith.constant 5.000000e-01 : f32
    %jit3A_20 = arith.constant -5.000000e-01 : f32
    %broadcast_in_dim3A = vector.broadcast %jit3A_19 : f32 to vector<16xf32>
    %broadcast_in_dim3A_21 = vector.broadcast %jit3A_20 : f32 to vector<16xf32>
    %select_n3A_22 = arith.select %ge3A_18, %broadcast_in_dim3A, %broadcast_in_dim3A_21 : vector<16xi1>, vector<16xf32>
    %add3A_23 = arith.addf %mul3A_16, %select_n3A_22 : vector<16xf32>
    %convert_element_type3A = arith.fptosi %add3A_23 : vector<16xf32> to vector<16xi32>
    %convert_element_type3A_24 = arith.sitofp %convert_element_type3A : vector<16xi32> to vector<16xf32>
    %mul3A_25 = arith.constant 6.281250e+00 : f32
    %mul3A_26 = vector.broadcast %mul3A_25 : f32 to vector<16xf32>
    %mul3A_27 = arith.mulf %convert_element_type3A_24, %mul3A_26 : vector<16xf32>
    %sub3A = arith.subf %mul3A_13, %mul3A_27 : vector<16xf32>
    %mul3A_28 = arith.constant 0.00193530717 : f32
    %mul3A_29 = vector.broadcast %mul3A_28 : f32 to vector<16xf32>
    %mul3A_30 = arith.mulf %convert_element_type3A_24, %mul3A_29 : vector<16xf32>
    %sub3A_31 = arith.subf %sub3A, %mul3A_30 : vector<16xf32>
    %mul3A_32 = arith.constant 5.000000e-01 : f32
    %mul3A_33 = vector.broadcast %mul3A_32 : f32 to vector<16xf32>
    %mul3A_34 = arith.mulf %sub3A_31, %mul3A_33 : vector<16xf32>
    %mul3A_35 = arith.mulf %mul3A_34, %mul3A_34 : vector<16xf32>
    %mul3A_36 = arith.constant 2.75573188E-6 : f32
    %mul3A_37 = vector.broadcast %mul3A_36 : f32 to vector<16xf32>
    %mul3A_38 = arith.mulf %mul3A_35, %mul3A_37 : vector<16xf32>
    %add3A_39 = arith.constant -1.98412701E-4 : f32
    %add3A_40 = vector.broadcast %add3A_39 : f32 to vector<16xf32>
    %add3A_41 = arith.addf %add3A_40, %mul3A_38 : vector<16xf32>
    %mul3A_42 = arith.mulf %mul3A_35, %add3A_41 : vector<16xf32>
    %add3A_43 = arith.constant 0.00833333377 : f32
    %add3A_44 = vector.broadcast %add3A_43 : f32 to vector<16xf32>
    %add3A_45 = arith.addf %add3A_44, %mul3A_42 : vector<16xf32>
    %mul3A_46 = arith.mulf %mul3A_35, %add3A_45 : vector<16xf32>
    %add3A_47 = arith.constant -0.166666672 : f32
    %add3A_48 = vector.broadcast %add3A_47 : f32 to vector<16xf32>
    %add3A_49 = arith.addf %add3A_48, %mul3A_46 : vector<16xf32>
    %mul3A_50 = arith.mulf %mul3A_35, %add3A_49 : vector<16xf32>
    %add3A_51 = arith.constant 1.000000e+00 : f32
    %add3A_52 = vector.broadcast %add3A_51 : f32 to vector<16xf32>
    %add3A_53 = arith.addf %add3A_52, %mul3A_50 : vector<16xf32>
    %mul3A_54 = arith.mulf %mul3A_34, %add3A_53 : vector<16xf32>
    %mul3A_55 = arith.constant 2.755732E-7 : f32
    %mul3A_56 = vector.broadcast %mul3A_55 : f32 to vector<16xf32>
    %mul3A_57 = arith.mulf %mul3A_35, %mul3A_56 : vector<16xf32>
    %sub3A_58 = arith.constant 2.48015876E-5 : f32
    %sub3A_59 = vector.broadcast %sub3A_58 : f32 to vector<16xf32>
    %sub3A_60 = arith.subf %sub3A_59, %mul3A_57 : vector<16xf32>
    %mul3A_61 = arith.mulf %mul3A_35, %sub3A_60 : vector<16xf32>
    %add3A_62 = arith.constant -0.00138888892 : f32
    %add3A_63 = vector.broadcast %add3A_62 : f32 to vector<16xf32>
    %add3A_64 = arith.addf %add3A_63, %mul3A_61 : vector<16xf32>
    %mul3A_65 = arith.mulf %mul3A_35, %add3A_64 : vector<16xf32>
    %add3A_66 = arith.constant 0.0416666679 : f32
    %add3A_67 = vector.broadcast %add3A_66 : f32 to vector<16xf32>
    %add3A_68 = arith.addf %add3A_67, %mul3A_65 : vector<16xf32>
    %mul3A_69 = arith.mulf %mul3A_35, %add3A_68 : vector<16xf32>
    %add3A_70 = arith.constant -5.000000e-01 : f32
    %add3A_71 = vector.broadcast %add3A_70 : f32 to vector<16xf32>
    %add3A_72 = arith.addf %add3A_71, %mul3A_69 : vector<16xf32>
    %mul3A_73 = arith.mulf %mul3A_35, %add3A_72 : vector<16xf32>
    %add3A_74 = arith.constant 1.000000e+00 : f32
    %add3A_75 = vector.broadcast %add3A_74 : f32 to vector<16xf32>
    %add3A_76 = arith.addf %add3A_75, %mul3A_73 : vector<16xf32>
    %mul3A_77 = arith.constant 2.000000e+00 : f32
    %mul3A_78 = vector.broadcast %mul3A_77 : f32 to vector<16xf32>
    %mul3A_79 = arith.mulf %mul3A_78, %mul3A_54 : vector<16xf32>
    %mul3A_80 = arith.mulf %mul3A_79, %add3A_76 : vector<16xf32>
    %mul3A_81 = arith.constant 2.000000e+00 : f32
    %mul3A_82 = vector.broadcast %mul3A_81 : f32 to vector<16xf32>
    %mul3A_83 = arith.mulf %mul3A_82, %mul3A_54 : vector<16xf32>
    %mul3A_84 = arith.mulf %mul3A_83, %mul3A_54 : vector<16xf32>
    %sub3A_85 = arith.constant 1.000000e+00 : f32
    %sub3A_86 = vector.broadcast %sub3A_85 : f32 to vector<16xf32>
    %sub3A_87 = arith.subf %sub3A_86, %mul3A_84 : vector<16xf32>
    %neg3A = arith.constant 0.000000e+00 : f32
    %neg3A_88 = vector.broadcast %neg3A : f32 to vector<16xf32>
    %neg3A_89 = arith.subf %neg3A_88, %mul3A_80 : vector<16xf32>
    %get3A_90 = arith.constant 0 : index
    %get3A_91 = tpu.vector_load %arg7[%get3A_90] {strides = array<i32>} : memref<512xf32, #tpu.memory_space<vmem>>, vector<16xf32>,
    %get3A_92 = vector.shape_cast %get3A_91 : vector<16xf32> to vector<16xf32>
    %mul3A_93 = arith.mulf %sub3A_87, %get3A_92 : vector<16xf32>
    %swap3A = arith.constant 0 : index
    %swap3A_94 = tpu.vector_load %arg8[%swap3A] {strides = array<i32>} : memref<512xf32, #tpu.memory_space<vmem>>, vector<16xf32>,
    %swap3A_95 = vector.shape_cast %swap3A_94 : vector<16xf32> to vector<16xf32>
    %swap3A_96 = vector.shape_cast %mul3A_93 : vector<16xf32> to vector<16xf32>
    tpu.vector_store %arg8[%swap3A], %swap3A_96 {strides = array<i32>} : memref<512xf32, #tpu.memory_space<vmem>>, vector<16xf32>,
    %get3A_97 = arith.constant 0 : index
    %get3A_98 = tpu.vector_load %arg7[%get3A_97] {strides = array<i32>} : memref<512xf32, #tpu.memory_space<vmem>>, vector<16xf32>,
    %get3A_99 = vector.shape_cast %get3A_98 : vector<16xf32> to vector<16xf32>
    %mul3A_100 = arith.mulf %neg3A_89, %get3A_99 : vector<16xf32>
    %swap3A_101 = arith.constant 0 : index
    %swap3A_102 = tpu.vector_load %arg9[%swap3A_101] {strides = array<i32>} : memref<512xf32, #tpu.memory_space<vmem>>, vector<16xf32>,
    %swap3A_103 = vector.shape_cast %swap3A_102 : vector<16xf32> to vector<16xf32>
    %swap3A_104 = vector.shape_cast %mul3A_100 : vector<16xf32> to vector<16xf32>
    tpu.vector_store %arg9[%swap3A_101], %swap3A_104 {strides = array<i32>} : memref<512xf32, #tpu.memory_space<vmem>>, vector<16xf32>,
    %get3A_105 = arith.constant 16 : index
    %get3A_106 = tpu.vector_load %arg7[%get3A_105] {strides = array<i32>} : memref<512xf32, #tpu.memory_space<vmem>>, vector<16xf32>,
    %get3A_107 = vector.shape_cast %get3A_106 : vector<16xf32> to vector<16xf32>
    %mul3A_108 = arith.mulf %sub3A_87, %get3A_107 : vector<16xf32>
    %swap3A_109 = arith.constant 16 : index
    %swap3A_110 = tpu.vector_load %arg8[%swap3A_109] {strides = array<i32>} : memref<512xf32, #tpu.memory_space<vmem>>, vector<16xf32>,
    %swap3A_111 = vector.shape_cast %swap3A_110 : vector<16xf32> to vector<16xf32>
    %swap3A_112 = vector.shape_cast %mul3A_108 : vector<16xf32> to vector<16xf32>
    tpu.vector_store %arg8[%swap3A_109], %swap3A_112 {strides = array<i32>} : memref<512xf32, #tpu.memory_space<vmem>>, vector<16xf32>,
    %get3A_113 = arith.constant 16 : index
    %get3A_114 = tpu.vector_load %arg7[%get3A_113] {strides = array<i32>} : memref<512xf32, #tpu.memory_space<vmem>>, vector<16xf32>,
    %get3A_115 = vector.shape_cast %get3A_114 : vector<16xf32> to vector<16xf32>
    %mul3A_116 = arith.mulf %neg3A_89, %get3A_115 : vector<16xf32>
    %swap3A_117 = arith.constant 16 : index
    %swap3A_118 = tpu.vector_load %arg9[%swap3A_117] {strides = array<i32>} : memref<512xf32, #tpu.memory_space<vmem>>, vector<16xf32>,
    %swap3A_119 = vector.shape_cast %swap3A_118 : vector<16xf32> to vector<16xf32>
    %swap3A_120 = vector.shape_cast %mul3A_116 : vector<16xf32> to vector<16xf32>
    tpu.vector_store %arg9[%swap3A_117], %swap3A_120 {strides = array<i32>} : memref<512xf32, #tpu.memory_space<vmem>>, vector<16xf32>,
    %get3A_121 = arith.constant 32 : index
    %get3A_122 = tpu.vector_load %arg7[%get3A_121] {strides = array<i32>} : memref<512xf32, #tpu.memory_space<vmem>>, vector<16xf32>,
    %get3A_123 = vector.shape_cast %get3A_122 : vector<16xf32> to vector<16xf32>
    %mul3A_124 = arith.mulf %sub3A_87, %get3A_123 : vector<16xf32>
    %swap3A_125 = arith.constant 32 : index
    %swap3A_126 = tpu.vector_load %arg8[%swap3A_125] {strides = array<i32>} : memref<512xf32, #tpu.memory_space<vmem>>, vector<16xf32>,
    %swap3A_127 = vector.shape_cast %swap3A_126 : vector<16xf32> to vector<16xf32>
    %swap3A_128 = vector.shape_cast %mul3A_124 : vector<16xf32> to vector<16xf32>
    tpu.vector_store %arg8[%swap3A_125], %swap3A_128 {strides = array<i32>} : memref<512xf32, #tpu.memory_space<vmem>>, vector<16xf32>,
    %get3A_129 = arith.constant 32 : index
    %get3A_130 = tpu.vector_load %arg7[%get3A_129] {strides = array<i32>} : memref<512xf32, #tpu.memory_space<vmem>>, vector<16xf32>,
    %get3A_131 = vector.shape_cast %get3A_130 : vector<16xf32> to vector<16xf32>
    %mul3A_132 = arith.mulf %neg3A_89, %get3A_131 : vector<16xf32>
    %swap3A_133 = arith.constant 32 : index
    %swap3A_134 = tpu.vector_load %arg9[%swap3A_133] {strides = array<i32>} : memref<512xf32, #tpu.memory_space<vmem>>, vector<16xf32>,
    %swap3A_135 = vector.shape_cast %swap3A_134 : vector<16xf32> to vector<16xf32>
    %swap3A_136 = vector.shape_cast %mul3A_132 : vector<16xf32> to vector<16xf32>
    tpu.vector_store %arg9[%swap3A_133], %swap3A_136 {strides = array<i32>} : memref<512xf32, #tpu.memory_space<vmem>>, vector<16xf32>,
    %get3A_137 = arith.constant 48 : index
    %get3A_138 = tpu.vector_load %arg7[%get3A_137] {strides = array<i32>} : memref<512xf32, #tpu.memory_space<vmem>>, vector<16xf32>,
    %get3A_139 = vector.shape_cast %get3A_138 : vector<16xf32> to vector<16xf32>
    %mul3A_140 = arith.mulf %sub3A_87, %get3A_139 : vector<16xf32>
    %swap3A_141 = arith.constant 48 : index
    %swap3A_142 = tpu.vector_load %arg8[%swap3A_141] {strides = array<i32>} : memref<512xf32, #tpu.memory_space<vmem>>, vector<16xf32>,
    %swap3A_143 = vector.shape_cast %swap3A_142 : vector<16xf32> to vector<16xf32>
    %swap3A_144 = vector.shape_cast %mul3A_140 : vector<16xf32> to vector<16xf32>
    tpu.vector_store %arg8[%swap3A_141], %swap3A_144 {strides = array<i32>} : memref<512xf32, #tpu.memory_space<vmem>>, vector<16xf32>,
    %get3A_145 = arith.constant 48 : index
    %get3A_146 = tpu.vector_load %arg7[%get3A_145] {strides = array<i32>} : memref<512xf32, #tpu.memory_space<vmem>>, vector<16xf32>,
    %get3A_147 = vector.shape_cast %get3A_146 : vector<16xf32> to vector<16xf32>
    %mul3A_148 = arith.mulf %neg3A_89, %get3A_147 : vector<16xf32>
    %swap3A_149 = arith.constant 48 : index
    %swap3A_150 = tpu.vector_load %arg9[%swap3A_149] {strides = array<i32>} : memref<512xf32, #tpu.memory_space<vmem>>, vector<16xf32>,
    %swap3A_151 = vector.shape_cast %swap3A_150 : vector<16xf32> to vector<16xf32>
    %swap3A_152 = vector.shape_cast %mul3A_148 : vector<16xf32> to vector<16xf32>
    tpu.vector_store %arg9[%swap3A_149], %swap3A_152 {strides = array<i32>} : memref<512xf32, #tpu.memory_space<vmem>>, vector<16xf32>,
    %get3A_153 = arith.constant 64 : index
    %get3A_154 = tpu.vector_load %arg7[%get3A_153] {strides = array<i32>} : memref<512xf32, #tpu.memory_space<vmem>>, vector<16xf32>,
    %get3A_155 = vector.shape_cast %get3A_154 : vector<16xf32> to vector<16xf32>
    %mul3A_156 = arith.mulf %sub3A_87, %get3A_155 : vector<16xf32>
    %swap3A_157 = arith.constant 64 : index
    %swap3A_158 = tpu.vector_load %arg8[%swap3A_157] {strides = array<i32>} : memref<512xf32, #tpu.memory_space<vmem>>, vector<16xf32>,
    %swap3A_159 = vector.shape_cast %swap3A_158 : vector<16xf32> to vector<16xf32>
    %swap3A_160 = vector.shape_cast %mul3A_156 : vector<16xf32> to vector<16xf32>
    tpu.vector_store %arg8[%swap3A_157], %swap3A_160 {strides = array<i32>} : memref<512xf32, #tpu.memory_space<vmem>>, vector<16xf32>,
    %get3A_161 = arith.constant 64 : index
    %get3A_162 = tpu.vector_load %arg7[%get3A_161] {strides = array<i32>} : memref<512xf32, #tpu.memory_space<vmem>>, vector<16xf32>,
    %get3A_163 = vector.shape_cast %get3A_162 : vector<16xf32> to vector<16xf32>
    %mul3A_164 = arith.mulf %neg3A_89, %get3A_163 : vector<16xf32>
    %swap3A_165 = arith.constant 64 : index
    %swap3A_166 = tpu.vector_load %arg9[%swap3A_165] {strides = array<i32>} : memref<512xf32, #tpu.memory_space<vmem>>, vector<16xf32>,
    %swap3A_167 = vector.shape_cast %swap3A_166 : vector<16xf32> to vector<16xf32>
    %swap3A_168 = vector.shape_cast %mul3A_164 : vector<16xf32> to vector<16xf32>
    tpu.vector_store %arg9[%swap3A_165], %swap3A_168 {strides = array<i32>} : memref<512xf32, #tpu.memory_space<vmem>>, vector<16xf32>,
    %get3A_169 = arith.constant 80 : index
    %get3A_170 = tpu.vector_load %arg7[%get3A_169] {strides = array<i32>} : memref<512xf32, #tpu.memory_space<vmem>>, vector<16xf32>,
    %get3A_171 = vector.shape_cast %get3A_170 : vector<16xf32> to vector<16xf32>
    %mul3A_172 = arith.mulf %sub3A_87, %get3A_171 : vector<16xf32>
    %swap3A_173 = arith.constant 80 : index
    %swap3A_174 = tpu.vector_load %arg8[%swap3A_173] {strides = array<i32>} : memref<512xf32, #tpu.memory_space<vmem>>, vector<16xf32>,
    %swap3A_175 = vector.shape_cast %swap3A_174 : vector<16xf32> to vector<16xf32>
    %swap3A_176 = vector.shape_cast %mul3A_172 : vector<16xf32> to vector<16xf32>
    tpu.vector_store %arg8[%swap3A_173], %swap3A_176 {strides = array<i32>} : memref<512xf32, #tpu.memory_space<vmem>>, vector<16xf32>,
    %get3A_177 = arith.constant 80 : index
    %get3A_178 = tpu.vector_load %arg7[%get3A_177] {strides = array<i32>} : memref<512xf32, #tpu.memory_space<vmem>>, vector<16xf32>,
    %get3A_179 = vector.shape_cast %get3A_178 : vector<16xf32> to vector<16xf32>
    %mul3A_180 = arith.mulf %neg3A_89, %get3A_179 : vector<16xf32>
    %swap3A_181 = arith.constant 80 : index
    %swap3A_182 = tpu.vector_load %arg9[%swap3A_181] {strides = array<i32>} : memref<512xf32, #tpu.memory_space<vmem>>, vector<16xf32>,
    %swap3A_183 = vector.shape_cast %swap3A_182 : vector<16xf32> to vector<16xf32>
    %swap3A_184 = vector.shape_cast %mul3A_180 : vector<16xf32> to vector<16xf32>
    tpu.vector_store %arg9[%swap3A_181], %swap3A_184 {strides = array<i32>} : memref<512xf32, #tpu.memory_space<vmem>>, vector<16xf32>,
    %get3A_185 = arith.constant 96 : index
    %get3A_186 = tpu.vector_load %arg7[%get3A_185] {strides = array<i32>} : memref<512xf32, #tpu.memory_space<vmem>>, vector<16xf32>,
    %get3A_187 = vector.shape_cast %get3A_186 : vector<16xf32> to vector<16xf32>
    %mul3A_188 = arith.mulf %sub3A_87, %get3A_187 : vector<16xf32>
    %swap3A_189 = arith.constant 96 : index
    %swap3A_190 = tpu.vector_load %arg8[%swap3A_189] {strides = array<i32>} : memref<512xf32, #tpu.memory_space<vmem>>, vector<16xf32>,
    %swap3A_191 = vector.shape_cast %swap3A_190 : vector<16xf32> to vector<16xf32>
    %swap3A_192 = vector.shape_cast %mul3A_188 : vector<16xf32> to vector<16xf32>
    tpu.vector_store %arg8[%swap3A_189], %swap3A_192 {strides = array<i32>} : memref<512xf32, #tpu.memory_space<vmem>>, vector<16xf32>,
    %get3A_193 = arith.constant 96 : index
    %get3A_194 = tpu.vector_load %arg7[%get3A_193] {strides = array<i32>} : memref<512xf32, #tpu.memory_space<vmem>>, vector<16xf32>,
    %get3A_195 = vector.shape_cast %get3A_194 : vector<16xf32> to vector<16xf32>
    %mul3A_196 = arith.mulf %neg3A_89, %get3A_195 : vector<16xf32>
    %swap3A_197 = arith.constant 96 : index
    %swap3A_198 = tpu.vector_load %arg9[%swap3A_197] {strides = array<i32>} : memref<512xf32, #tpu.memory_space<vmem>>, vector<16xf32>,
    %swap3A_199 = vector.shape_cast %swap3A_198 : vector<16xf32> to vector<16xf32>
    %swap3A_200 = vector.shape_cast %mul3A_196 : vector<16xf32> to vector<16xf32>
    tpu.vector_store %arg9[%swap3A_197], %swap3A_200 {strides = array<i32>} : memref<512xf32, #tpu.memory_space<vmem>>, vector<16xf32>,
    %get3A_201 = arith.constant 112 : index
    %get3A_202 = tpu.vector_load %arg7[%get3A_201] {strides = array<i32>} : memref<512xf32, #tpu.memory_space<vmem>>, vector<16xf32>,
    %get3A_203 = vector.shape_cast %get3A_202 : vector<16xf32> to vector<16xf32>
    %mul3A_204 = arith.mulf %sub3A_87, %get3A_203 : vector<16xf32>
    %swap3A_205 = arith.constant 112 : index
    %swap3A_206 = tpu.vector_load %arg8[%swap3A_205] {strides = array<i32>} : memref<512xf32, #tpu.memory_space<vmem>>, vector<16xf32>,
    %swap3A_207 = vector.shape_cast %swap3A_206 : vector<16xf32> to vector<16xf32>
    %swap3A_208 = vector.shape_cast %mul3A_204 : vector<16xf32> to vector<16xf32>
    tpu.vector_store %arg8[%swap3A_205], %swap3A_208 {strides = array<i32>} : memref<512xf32, #tpu.memory_space<vmem>>, vector<16xf32>,
    %get3A_209 = arith.constant 112 : index
    %get3A_210 = tpu.vector_load %arg7[%get3A_209] {strides = array<i32>} : memref<512xf32, #tpu.memory_space<vmem>>, vector<16xf32>,
    %get3A_211 = vector.shape_cast %get3A_210 : vector<16xf32> to vector<16xf32>
    %mul3A_212 = arith.mulf %neg3A_89, %get3A_211 : vector<16xf32>
    %swap3A_213 = arith.constant 112 : index
    %swap3A_214 = tpu.vector_load %arg9[%swap3A_213] {strides = array<i32>} : memref<512xf32, #tpu.memory_space<vmem>>, vector<16xf32>,
    %swap3A_215 = vector.shape_cast %swap3A_214 : vector<16xf32> to vector<16xf32>
    %swap3A_216 = vector.shape_cast %mul3A_212 : vector<16xf32> to vector<16xf32>
    tpu.vector_store %arg9[%swap3A_213], %swap3A_216 {strides = array<i32>} : memref<512xf32, #tpu.memory_space<vmem>>, vector<16xf32>,
    %get3A_217 = arith.constant 128 : index
    %get3A_218 = tpu.vector_load %arg7[%get3A_217] {strides = array<i32>} : memref<512xf32, #tpu.memory_space<vmem>>, vector<16xf32>,
    %get3A_219 = vector.shape_cast %get3A_218 : vector<16xf32> to vector<16xf32>
    %mul3A_220 = arith.mulf %sub3A_87, %get3A_219 : vector<16xf32>
    %swap3A_221 = arith.constant 128 : index
    %swap3A_222 = tpu.vector_load %arg8[%swap3A_221] {strides = array<i32>} : memref<512xf32, #tpu.memory_space<vmem>>, vector<16xf32>,
    %swap3A_223 = vector.shape_cast %swap3A_222 : vector<16xf32> to vector<16xf32>
    %swap3A_224 = vector.shape_cast %mul3A_220 : vector<16xf32> to vector<16xf32>
    tpu.vector_store %arg8[%swap3A_221], %swap3A_224 {strides = array<i32>} : memref<512xf32, #tpu.memory_space<vmem>>, vector<16xf32>,
    %get3A_225 = arith.constant 128 : index
    %get3A_226 = tpu.vector_load %arg7[%get3A_225] {strides = array<i32>} : memref<512xf32, #tpu.memory_space<vmem>>, vector<16xf32>,
    %get3A_227 = vector.shape_cast %get3A_226 : vector<16xf32> to vector<16xf32>
    %mul3A_228 = arith.mulf %neg3A_89, %get3A_227 : vector<16xf32>
    %swap3A_229 = arith.constant 128 : index
    %swap3A_230 = tpu.vector_load %arg9[%swap3A_229] {strides = array<i32>} : memref<512xf32, #tpu.memory_space<vmem>>, vector<16xf32>,
    %swap3A_231 = vector.shape_cast %swap3A_230 : vector<16xf32> to vector<16xf32>
    %swap3A_232 = vector.shape_cast %mul3A_228 : vector<16xf32> to vector<16xf32>
    tpu.vector_store %arg9[%swap3A_229], %swap3A_232 {strides = array<i32>} : memref<512xf32, #tpu.memory_space<vmem>>, vector<16xf32>,
    %get3A_233 = arith.constant 144 : index
    %get3A_234 = tpu.vector_load %arg7[%get3A_233] {strides = array<i32>} : memref<512xf32, #tpu.memory_space<vmem>>, vector<16xf32>,
    %get3A_235 = vector.shape_cast %get3A_234 : vector<16xf32> to vector<16xf32>
    %mul3A_236 = arith.mulf %sub3A_87, %get3A_235 : vector<16xf32>
    %swap3A_237 = arith.constant 144 : index
    %swap3A_238 = tpu.vector_load %arg8[%swap3A_237] {strides = array<i32>} : memref<512xf32, #tpu.memory_space<vmem>>, vector<16xf32>,
    %swap3A_239 = vector.shape_cast %swap3A_238 : vector<16xf32> to vector<16xf32>
    %swap3A_240 = vector.shape_cast %mul3A_236 : vector<16xf32> to vector<16xf32>
    tpu.vector_store %arg8[%swap3A_237], %swap3A_240 {strides = array<i32>} : memref<512xf32, #tpu.memory_space<vmem>>, vector<16xf32>,
    %get3A_241 = arith.constant 144 : index
    %get3A_242 = tpu.vector_load %arg7[%get3A_241] {strides = array<i32>} : memref<512xf32, #tpu.memory_space<vmem>>, vector<16xf32>,
    %get3A_243 = vector.shape_cast %get3A_242 : vector<16xf32> to vector<16xf32>
    %mul3A_244 = arith.mulf %neg3A_89, %get3A_243 : vector<16xf32>
    %swap3A_245 = arith.constant 144 : index
    %swap3A_246 = tpu.vector_load %arg9[%swap3A_245] {strides = array<i32>} : memref<512xf32, #tpu.memory_space<vmem>>, vector<16xf32>,
    %swap3A_247 = vector.shape_cast %swap3A_246 : vector<16xf32> to vector<16xf32>
    %swap3A_248 = vector.shape_cast %mul3A_244 : vector<16xf32> to vector<16xf32>
    tpu.vector_store %arg9[%swap3A_245], %swap3A_248 {strides = array<i32>} : memref<512xf32, #tpu.memory_space<vmem>>, vector<16xf32>,
    %get3A_249 = arith.constant 160 : index
    %get3A_250 = tpu.vector_load %arg7[%get3A_249] {strides = array<i32>} : memref<512xf32, #tpu.memory_space<vmem>>, vector<16xf32>,
    %get3A_251 = vector.shape_cast %get3A_250 : vector<16xf32> to vector<16xf32>
    %mul3A_252 = arith.mulf %sub3A_87, %get3A_251 : vector<16xf32>
    %swap3A_253 = arith.constant 160 : index
    %swap3A_254 = tpu.vector_load %arg8[%swap3A_253] {strides = array<i32>} : memref<512xf32, #tpu.memory_space<vmem>>, vector<16xf32>,
    %swap3A_255 = vector.shape_cast %swap3A_254 : vector<16xf32> to vector<16xf32>
    %swap3A_256 = vector.shape_cast %mul3A_252 : vector<16xf32> to vector<16xf32>
    tpu.vector_store %arg8[%swap3A_253], %swap3A_256 {strides = array<i32>} : memref<512xf32, #tpu.memory_space<vmem>>, vector<16xf32>,
    %get3A_257 = arith.constant 160 : index
    %get3A_258 = tpu.vector_load %arg7[%get3A_257] {strides = array<i32>} : memref<512xf32, #tpu.memory_space<vmem>>, vector<16xf32>,
    %get3A_259 = vector.shape_cast %get3A_258 : vector<16xf32> to vector<16xf32>
    %mul3A_260 = arith.mulf %neg3A_89, %get3A_259 : vector<16xf32>
    %swap3A_261 = arith.constant 160 : index
    %swap3A_262 = tpu.vector_load %arg9[%swap3A_261] {strides = array<i32>} : memref<512xf32, #tpu.memory_space<vmem>>, vector<16xf32>,
    %swap3A_263 = vector.shape_cast %swap3A_262 : vector<16xf32> to vector<16xf32>
    %swap3A_264 = vector.shape_cast %mul3A_260 : vector<16xf32> to vector<16xf32>
    tpu.vector_store %arg9[%swap3A_261], %swap3A_264 {strides = array<i32>} : memref<512xf32, #tpu.memory_space<vmem>>, vector<16xf32>,
    %get3A_265 = arith.constant 176 : index
    %get3A_266 = tpu.vector_load %arg7[%get3A_265] {strides = array<i32>} : memref<512xf32, #tpu.memory_space<vmem>>, vector<16xf32>,
    %get3A_267 = vector.shape_cast %get3A_266 : vector<16xf32> to vector<16xf32>
    %mul3A_268 = arith.mulf %sub3A_87, %get3A_267 : vector<16xf32>
    %swap3A_269 = arith.constant 176 : index
    %swap3A_270 = tpu.vector_load %arg8[%swap3A_269] {strides = array<i32>} : memref<512xf32, #tpu.memory_space<vmem>>, vector<16xf32>,
    %swap3A_271 = vector.shape_cast %swap3A_270 : vector<16xf32> to vector<16xf32>
    %swap3A_272 = vector.shape_cast %mul3A_268 : vector<16xf32> to vector<16xf32>
    tpu.vector_store %arg8[%swap3A_269], %swap3A_272 {strides = array<i32>} : memref<512xf32, #tpu.memory_space<vmem>>, vector<16xf32>,
    %get3A_273 = arith.constant 176 : index
    %get3A_274 = tpu.vector_load %arg7[%get3A_273] {strides = array<i32>} : memref<512xf32, #tpu.memory_space<vmem>>, vector<16xf32>,
    %get3A_275 = vector.shape_cast %get3A_274 : vector<16xf32> to vector<16xf32>
    %mul3A_276 = arith.mulf %neg3A_89, %get3A_275 : vector<16xf32>
    %swap3A_277 = arith.constant 176 : index
    %swap3A_278 = tpu.vector_load %arg9[%swap3A_277] {strides = array<i32>} : memref<512xf32, #tpu.memory_space<vmem>>, vector<16xf32>,
    %swap3A_279 = vector.shape_cast %swap3A_278 : vector<16xf32> to vector<16xf32>
    %swap3A_280 = vector.shape_cast %mul3A_276 : vector<16xf32> to vector<16xf32>
    tpu.vector_store %arg9[%swap3A_277], %swap3A_280 {strides = array<i32>} : memref<512xf32, #tpu.memory_space<vmem>>, vector<16xf32>,
    %get3A_281 = arith.constant 192 : index
    %get3A_282 = tpu.vector_load %arg7[%get3A_281] {strides = array<i32>} : memref<512xf32, #tpu.memory_space<vmem>>, vector<16xf32>,
    %get3A_283 = vector.shape_cast %get3A_282 : vector<16xf32> to vector<16xf32>
    %mul3A_284 = arith.mulf %sub3A_87, %get3A_283 : vector<16xf32>
    %swap3A_285 = arith.constant 192 : index
    %swap3A_286 = tpu.vector_load %arg8[%swap3A_285] {strides = array<i32>} : memref<512xf32, #tpu.memory_space<vmem>>, vector<16xf32>,
    %swap3A_287 = vector.shape_cast %swap3A_286 : vector<16xf32> to vector<16xf32>
    %swap3A_288 = vector.shape_cast %mul3A_284 : vector<16xf32> to vector<16xf32>
    tpu.vector_store %arg8[%swap3A_285], %swap3A_288 {strides = array<i32>} : memref<512xf32, #tpu.memory_space<vmem>>, vector<16xf32>,
    %get3A_289 = arith.constant 192 : index
    %get3A_290 = tpu.vector_load %arg7[%get3A_289] {strides = array<i32>} : memref<512xf32, #tpu.memory_space<vmem>>, vector<16xf32>,
    %get3A_291 = vector.shape_cast %get3A_290 : vector<16xf32> to vector<16xf32>
    %mul3A_292 = arith.mulf %neg3A_89, %get3A_291 : vector<16xf32>
    %swap3A_293 = arith.constant 192 : index
    %swap3A_294 = tpu.vector_load %arg9[%swap3A_293] {strides = array<i32>} : memref<512xf32, #tpu.memory_space<vmem>>, vector<16xf32>,
    %swap3A_295 = vector.shape_cast %swap3A_294 : vector<16xf32> to vector<16xf32>
    %swap3A_296 = vector.shape_cast %mul3A_292 : vector<16xf32> to vector<16xf32>
    tpu.vector_store %arg9[%swap3A_293], %swap3A_296 {strides = array<i32>} : memref<512xf32, #tpu.memory_space<vmem>>, vector<16xf32>,
    %get3A_297 = arith.constant 208 : index
    %get3A_298 = tpu.vector_load %arg7[%get3A_297] {strides = array<i32>} : memref<512xf32, #tpu.memory_space<vmem>>, vector<16xf32>,
    %get3A_299 = vector.shape_cast %get3A_298 : vector<16xf32> to vector<16xf32>
    %mul3A_300 = arith.mulf %sub3A_87, %get3A_299 : vector<16xf32>
    %swap3A_301 = arith.constant 208 : index
    %swap3A_302 = tpu.vector_load %arg8[%swap3A_301] {strides = array<i32>} : memref<512xf32, #tpu.memory_space<vmem>>, vector<16xf32>,
    %swap3A_303 = vector.shape_cast %swap3A_302 : vector<16xf32> to vector<16xf32>
    %swap3A_304 = vector.shape_cast %mul3A_300 : vector<16xf32> to vector<16xf32>
    tpu.vector_store %arg8[%swap3A_301], %swap3A_304 {strides = array<i32>} : memref<512xf32, #tpu.memory_space<vmem>>, vector<16xf32>,
    %get3A_305 = arith.constant 208 : index
    %get3A_306 = tpu.vector_load %arg7[%get3A_305] {strides = array<i32>} : memref<512xf32, #tpu.memory_space<vmem>>, vector<16xf32>,
    %get3A_307 = vector.shape_cast %get3A_306 : vector<16xf32> to vector<16xf32>
    %mul3A_308 = arith.mulf %neg3A_89, %get3A_307 : vector<16xf32>
    %swap3A_309 = arith.constant 208 : index
    %swap3A_310 = tpu.vector_load %arg9[%swap3A_309] {strides = array<i32>} : memref<512xf32, #tpu.memory_space<vmem>>, vector<16xf32>,
    %swap3A_311 = vector.shape_cast %swap3A_310 : vector<16xf32> to vector<16xf32>
    %swap3A_312 = vector.shape_cast %mul3A_308 : vector<16xf32> to vector<16xf32>
    tpu.vector_store %arg9[%swap3A_309], %swap3A_312 {strides = array<i32>} : memref<512xf32, #tpu.memory_space<vmem>>, vector<16xf32>,
    %get3A_313 = arith.constant 224 : index
    %get3A_314 = tpu.vector_load %arg7[%get3A_313] {strides = array<i32>} : memref<512xf32, #tpu.memory_space<vmem>>, vector<16xf32>,
    %get3A_315 = vector.shape_cast %get3A_314 : vector<16xf32> to vector<16xf32>
    %mul3A_316 = arith.mulf %sub3A_87, %get3A_315 : vector<16xf32>
    %swap3A_317 = arith.constant 224 : index
    %swap3A_318 = tpu.vector_load %arg8[%swap3A_317] {strides = array<i32>} : memref<512xf32, #tpu.memory_space<vmem>>, vector<16xf32>,
    %swap3A_319 = vector.shape_cast %swap3A_318 : vector<16xf32> to vector<16xf32>
    %swap3A_320 = vector.shape_cast %mul3A_316 : vector<16xf32> to vector<16xf32>
    tpu.vector_store %arg8[%swap3A_317], %swap3A_320 {strides = array<i32>} : memref<512xf32, #tpu.memory_space<vmem>>, vector<16xf32>,
    %get3A_321 = arith.constant 224 : index
    %get3A_322 = tpu.vector_load %arg7[%get3A_321] {strides = array<i32>} : memref<512xf32, #tpu.memory_space<vmem>>, vector<16xf32>,
    %get3A_323 = vector.shape_cast %get3A_322 : vector<16xf32> to vector<16xf32>
    %mul3A_324 = arith.mulf %neg3A_89, %get3A_323 : vector<16xf32>
    %swap3A_325 = arith.constant 224 : index
    %swap3A_326 = tpu.vector_load %arg9[%swap3A_325] {strides = array<i32>} : memref<512xf32, #tpu.memory_space<vmem>>, vector<16xf32>,
    %swap3A_327 = vector.shape_cast %swap3A_326 : vector<16xf32> to vector<16xf32>
    %swap3A_328 = vector.shape_cast %mul3A_324 : vector<16xf32> to vector<16xf32>
    tpu.vector_store %arg9[%swap3A_325], %swap3A_328 {strides = array<i32>} : memref<512xf32, #tpu.memory_space<vmem>>, vector<16xf32>,
    %get3A_329 = arith.constant 240 : index
    %get3A_330 = tpu.vector_load %arg7[%get3A_329] {strides = array<i32>} : memref<512xf32, #tpu.memory_space<vmem>>, vector<16xf32>,
    %get3A_331 = vector.shape_cast %get3A_330 : vector<16xf32> to vector<16xf32>
    %mul3A_332 = arith.mulf %sub3A_87, %get3A_331 : vector<16xf32>
    %swap3A_333 = arith.constant 240 : index
    %swap3A_334 = tpu.vector_load %arg8[%swap3A_333] {strides = array<i32>} : memref<512xf32, #tpu.memory_space<vmem>>, vector<16xf32>,
    %swap3A_335 = vector.shape_cast %swap3A_334 : vector<16xf32> to vector<16xf32>
    %swap3A_336 = vector.shape_cast %mul3A_332 : vector<16xf32> to vector<16xf32>
    tpu.vector_store %arg8[%swap3A_333], %swap3A_336 {strides = array<i32>} : memref<512xf32, #tpu.memory_space<vmem>>, vector<16xf32>,
    %get3A_337 = arith.constant 240 : index
    %get3A_338 = tpu.vector_load %arg7[%get3A_337] {strides = array<i32>} : memref<512xf32, #tpu.memory_space<vmem>>, vector<16xf32>,
    %get3A_339 = vector.shape_cast %get3A_338 : vector<16xf32> to vector<16xf32>
    %mul3A_340 = arith.mulf %neg3A_89, %get3A_339 : vector<16xf32>
    %swap3A_341 = arith.constant 240 : index
    %swap3A_342 = tpu.vector_load %arg9[%swap3A_341] {strides = array<i32>} : memref<512xf32, #tpu.memory_space<vmem>>, vector<16xf32>,
    %swap3A_343 = vector.shape_cast %swap3A_342 : vector<16xf32> to vector<16xf32>
    %swap3A_344 = vector.shape_cast %mul3A_340 : vector<16xf32> to vector<16xf32>
    tpu.vector_store %arg9[%swap3A_341], %swap3A_344 {strides = array<i32>} : memref<512xf32, #tpu.memory_space<vmem>>, vector<16xf32>,
    %get3A_345 = arith.constant 256 : index
    %get3A_346 = tpu.vector_load %arg7[%get3A_345] {strides = array<i32>} : memref<512xf32, #tpu.memory_space<vmem>>, vector<16xf32>,
    %get3A_347 = vector.shape_cast %get3A_346 : vector<16xf32> to vector<16xf32>
    %mul3A_348 = arith.mulf %sub3A_87, %get3A_347 : vector<16xf32>
    %swap3A_349 = arith.constant 256 : index
    %swap3A_350 = tpu.vector_load %arg8[%swap3A_349] {strides = array<i32>} : memref<512xf32, #tpu.memory_space<vmem>>, vector<16xf32>,
    %swap3A_351 = vector.shape_cast %swap3A_350 : vector<16xf32> to vector<16xf32>
    %swap3A_352 = vector.shape_cast %mul3A_348 : vector<16xf32> to vector<16xf32>
    tpu.vector_store %arg8[%swap3A_349], %swap3A_352 {strides = array<i32>} : memref<512xf32, #tpu.memory_space<vmem>>, vector<16xf32>,
    %get3A_353 = arith.constant 256 : index
    %get3A_354 = tpu.vector_load %arg7[%get3A_353] {strides = array<i32>} : memref<512xf32, #tpu.memory_space<vmem>>, vector<16xf32>,
    %get3A_355 = vector.shape_cast %get3A_354 : vector<16xf32> to vector<16xf32>
    %mul3A_356 = arith.mulf %neg3A_89, %get3A_355 : vector<16xf32>
    %swap3A_357 = arith.constant 256 : index
    %swap3A_358 = tpu.vector_load %arg9[%swap3A_357] {strides = array<i32>} : memref<512xf32, #tpu.memory_space<vmem>>, vector<16xf32>,
    %swap3A_359 = vector.shape_cast %swap3A_358 : vector<16xf32> to vector<16xf32>
    %swap3A_360 = vector.shape_cast %mul3A_356 : vector<16xf32> to vector<16xf32>
    tpu.vector_store %arg9[%swap3A_357], %swap3A_360 {strides = array<i32>} : memref<512xf32, #tpu.memory_space<vmem>>, vector<16xf32>,
    %get3A_361 = arith.constant 272 : index
    %get3A_362 = tpu.vector_load %arg7[%get3A_361] {strides = array<i32>} : memref<512xf32, #tpu.memory_space<vmem>>, vector<16xf32>,
    %get3A_363 = vector.shape_cast %get3A_362 : vector<16xf32> to vector<16xf32>
    %mul3A_364 = arith.mulf %sub3A_87, %get3A_363 : vector<16xf32>
    %swap3A_365 = arith.constant 272 : index
    %swap3A_366 = tpu.vector_load %arg8[%swap3A_365] {strides = array<i32>} : memref<512xf32, #tpu.memory_space<vmem>>, vector<16xf32>,
    %swap3A_367 = vector.shape_cast %swap3A_366 : vector<16xf32> to vector<16xf32>
    %swap3A_368 = vector.shape_cast %mul3A_364 : vector<16xf32> to vector<16xf32>
    tpu.vector_store %arg8[%swap3A_365], %swap3A_368 {strides = array<i32>} : memref<512xf32, #tpu.memory_space<vmem>>, vector<16xf32>,
    %get3A_369 = arith.constant 272 : index
    %get3A_370 = tpu.vector_load %arg7[%get3A_369] {strides = array<i32>} : memref<512xf32, #tpu.memory_space<vmem>>, vector<16xf32>,
    %get3A_371 = vector.shape_cast %get3A_370 : vector<16xf32> to vector<16xf32>
    %mul3A_372 = arith.mulf %neg3A_89, %get3A_371 : vector<16xf32>
    %swap3A_373 = arith.constant 272 : index
    %swap3A_374 = tpu.vector_load %arg9[%swap3A_373] {strides = array<i32>} : memref<512xf32, #tpu.memory_space<vmem>>, vector<16xf32>,
    %swap3A_375 = vector.shape_cast %swap3A_374 : vector<16xf32> to vector<16xf32>
    %swap3A_376 = vector.shape_cast %mul3A_372 : vector<16xf32> to vector<16xf32>
    tpu.vector_store %arg9[%swap3A_373], %swap3A_376 {strides = array<i32>} : memref<512xf32, #tpu.memory_space<vmem>>, vector<16xf32>,
    %get3A_377 = arith.constant 288 : index
    %get3A_378 = tpu.vector_load %arg7[%get3A_377] {strides = array<i32>} : memref<512xf32, #tpu.memory_space<vmem>>, vector<16xf32>,
    %get3A_379 = vector.shape_cast %get3A_378 : vector<16xf32> to vector<16xf32>
    %mul3A_380 = arith.mulf %sub3A_87, %get3A_379 : vector<16xf32>
    %swap3A_381 = arith.constant 288 : index
    %swap3A_382 = tpu.vector_load %arg8[%swap3A_381] {strides = array<i32>} : memref<512xf32, #tpu.memory_space<vmem>>, vector<16xf32>,
    %swap3A_383 = vector.shape_cast %swap3A_382 : vector<16xf32> to vector<16xf32>
    %swap3A_384 = vector.shape_cast %mul3A_380 : vector<16xf32> to vector<16xf32>
    tpu.vector_store %arg8[%swap3A_381], %swap3A_384 {strides = array<i32>} : memref<512xf32, #tpu.memory_space<vmem>>, vector<16xf32>,
    %get3A_385 = arith.constant 288 : index
    %get3A_386 = tpu.vector_load %arg7[%get3A_385] {strides = array<i32>} : memref<512xf32, #tpu.memory_space<vmem>>, vector<16xf32>,
    %get3A_387 = vector.shape_cast %get3A_386 : vector<16xf32> to vector<16xf32>
    %mul3A_388 = arith.mulf %neg3A_89, %get3A_387 : vector<16xf32>
    %swap3A_389 = arith.constant 288 : index
    %swap3A_390 = tpu.vector_load %arg9[%swap3A_389] {strides = array<i32>} : memref<512xf32, #tpu.memory_space<vmem>>, vector<16xf32>,
    %swap3A_391 = vector.shape_cast %swap3A_390 : vector<16xf32> to vector<16xf32>
    %swap3A_392 = vector.shape_cast %mul3A_388 : vector<16xf32> to vector<16xf32>
    tpu.vector_store %arg9[%swap3A_389], %swap3A_392 {strides = array<i32>} : memref<512xf32, #tpu.memory_space<vmem>>, vector<16xf32>,
    %get3A_393 = arith.constant 304 : index
    %get3A_394 = tpu.vector_load %arg7[%get3A_393] {strides = array<i32>} : memref<512xf32, #tpu.memory_space<vmem>>, vector<16xf32>,
    %get3A_395 = vector.shape_cast %get3A_394 : vector<16xf32> to vector<16xf32>
    %mul3A_396 = arith.mulf %sub3A_87, %get3A_395 : vector<16xf32>
    %swap3A_397 = arith.constant 304 : index
    %swap3A_398 = tpu.vector_load %arg8[%swap3A_397] {strides = array<i32>} : memref<512xf32, #tpu.memory_space<vmem>>, vector<16xf32>,
    %swap3A_399 = vector.shape_cast %swap3A_398 : vector<16xf32> to vector<16xf32>
    %swap3A_400 = vector.shape_cast %mul3A_396 : vector<16xf32> to vector<16xf32>
    tpu.vector_store %arg8[%swap3A_397], %swap3A_400 {strides = array<i32>} : memref<512xf32, #tpu.memory_space<vmem>>, vector<16xf32>,
    %get3A_401 = arith.constant 304 : index
    %get3A_402 = tpu.vector_load %arg7[%get3A_401] {strides = array<i32>} : memref<512xf32, #tpu.memory_space<vmem>>, vector<16xf32>,
    %get3A_403 = vector.shape_cast %get3A_402 : vector<16xf32> to vector<16xf32>
    %mul3A_404 = arith.mulf %neg3A_89, %get3A_403 : vector<16xf32>
    %swap3A_405 = arith.constant 304 : index
    %swap3A_406 = tpu.vector_load %arg9[%swap3A_405] {strides = array<i32>} : memref<512xf32, #tpu.memory_space<vmem>>, vector<16xf32>,
    %swap3A_407 = vector.shape_cast %swap3A_406 : vector<16xf32> to vector<16xf32>
    %swap3A_408 = vector.shape_cast %mul3A_404 : vector<16xf32> to vector<16xf32>
    tpu.vector_store %arg9[%swap3A_405], %swap3A_408 {strides = array<i32>} : memref<512xf32, #tpu.memory_space<vmem>>, vector<16xf32>,
    %get3A_409 = arith.constant 320 : index
    %get3A_410 = tpu.vector_load %arg7[%get3A_409] {strides = array<i32>} : memref<512xf32, #tpu.memory_space<vmem>>, vector<16xf32>,
    %get3A_411 = vector.shape_cast %get3A_410 : vector<16xf32> to vector<16xf32>
    %mul3A_412 = arith.mulf %sub3A_87, %get3A_411 : vector<16xf32>
    %swap3A_413 = arith.constant 320 : index
    %swap3A_414 = tpu.vector_load %arg8[%swap3A_413] {strides = array<i32>} : memref<512xf32, #tpu.memory_space<vmem>>, vector<16xf32>,
    %swap3A_415 = vector.shape_cast %swap3A_414 : vector<16xf32> to vector<16xf32>
    %swap3A_416 = vector.shape_cast %mul3A_412 : vector<16xf32> to vector<16xf32>
    tpu.vector_store %arg8[%swap3A_413], %swap3A_416 {strides = array<i32>} : memref<512xf32, #tpu.memory_space<vmem>>, vector<16xf32>,
    %get3A_417 = arith.constant 320 : index
    %get3A_418 = tpu.vector_load %arg7[%get3A_417] {strides = array<i32>} : memref<512xf32, #tpu.memory_space<vmem>>, vector<16xf32>,
    %get3A_419 = vector.shape_cast %get3A_418 : vector<16xf32> to vector<16xf32>
    %mul3A_420 = arith.mulf %neg3A_89, %get3A_419 : vector<16xf32>
    %swap3A_421 = arith.constant 320 : index
    %swap3A_422 = tpu.vector_load %arg9[%swap3A_421] {strides = array<i32>} : memref<512xf32, #tpu.memory_space<vmem>>, vector<16xf32>,
    %swap3A_423 = vector.shape_cast %swap3A_422 : vector<16xf32> to vector<16xf32>
    %swap3A_424 = vector.shape_cast %mul3A_420 : vector<16xf32> to vector<16xf32>
    tpu.vector_store %arg9[%swap3A_421], %swap3A_424 {strides = array<i32>} : memref<512xf32, #tpu.memory_space<vmem>>, vector<16xf32>,
    %get3A_425 = arith.constant 336 : index
    %get3A_426 = tpu.vector_load %arg7[%get3A_425] {strides = array<i32>} : memref<512xf32, #tpu.memory_space<vmem>>, vector<16xf32>,
    %get3A_427 = vector.shape_cast %get3A_426 : vector<16xf32> to vector<16xf32>
    %mul3A_428 = arith.mulf %sub3A_87, %get3A_427 : vector<16xf32>
    %swap3A_429 = arith.constant 336 : index
    %swap3A_430 = tpu.vector_load %arg8[%swap3A_429] {strides = array<i32>} : memref<512xf32, #tpu.memory_space<vmem>>, vector<16xf32>,
    %swap3A_431 = vector.shape_cast %swap3A_430 : vector<16xf32> to vector<16xf32>
    %swap3A_432 = vector.shape_cast %mul3A_428 : vector<16xf32> to vector<16xf32>
    tpu.vector_store %arg8[%swap3A_429], %swap3A_432 {strides = array<i32>} : memref<512xf32, #tpu.memory_space<vmem>>, vector<16xf32>,
    %get3A_433 = arith.constant 336 : index
    %get3A_434 = tpu.vector_load %arg7[%get3A_433] {strides = array<i32>} : memref<512xf32, #tpu.memory_space<vmem>>, vector<16xf32>,
    %get3A_435 = vector.shape_cast %get3A_434 : vector<16xf32> to vector<16xf32>
    %mul3A_436 = arith.mulf %neg3A_89, %get3A_435 : vector<16xf32>
    %swap3A_437 = arith.constant 336 : index
    %swap3A_438 = tpu.vector_load %arg9[%swap3A_437] {strides = array<i32>} : memref<512xf32, #tpu.memory_space<vmem>>, vector<16xf32>,
    %swap3A_439 = vector.shape_cast %swap3A_438 : vector<16xf32> to vector<16xf32>
    %swap3A_440 = vector.shape_cast %mul3A_436 : vector<16xf32> to vector<16xf32>
    tpu.vector_store %arg9[%swap3A_437], %swap3A_440 {strides = array<i32>} : memref<512xf32, #tpu.memory_space<vmem>>, vector<16xf32>,
    %get3A_441 = arith.constant 352 : index
    %get3A_442 = tpu.vector_load %arg7[%get3A_441] {strides = array<i32>} : memref<512xf32, #tpu.memory_space<vmem>>, vector<16xf32>,
    %get3A_443 = vector.shape_cast %get3A_442 : vector<16xf32> to vector<16xf32>
    %mul3A_444 = arith.mulf %sub3A_87, %get3A_443 : vector<16xf32>
    %swap3A_445 = arith.constant 352 : index
    %swap3A_446 = tpu.vector_load %arg8[%swap3A_445] {strides = array<i32>} : memref<512xf32, #tpu.memory_space<vmem>>, vector<16xf32>,
    %swap3A_447 = vector.shape_cast %swap3A_446 : vector<16xf32> to vector<16xf32>
    %swap3A_448 = vector.shape_cast %mul3A_444 : vector<16xf32> to vector<16xf32>
    tpu.vector_store %arg8[%swap3A_445], %swap3A_448 {strides = array<i32>} : memref<512xf32, #tpu.memory_space<vmem>>, vector<16xf32>,
    %get3A_449 = arith.constant 352 : index
    %get3A_450 = tpu.vector_load %arg7[%get3A_449] {strides = array<i32>} : memref<512xf32, #tpu.memory_space<vmem>>, vector<16xf32>,
    %get3A_451 = vector.shape_cast %get3A_450 : vector<16xf32> to vector<16xf32>
    %mul3A_452 = arith.mulf %neg3A_89, %get3A_451 : vector<16xf32>
    %swap3A_453 = arith.constant 352 : index
    %swap3A_454 = tpu.vector_load %arg9[%swap3A_453] {strides = array<i32>} : memref<512xf32, #tpu.memory_space<vmem>>, vector<16xf32>,
    %swap3A_455 = vector.shape_cast %swap3A_454 : vector<16xf32> to vector<16xf32>
    %swap3A_456 = vector.shape_cast %mul3A_452 : vector<16xf32> to vector<16xf32>
    tpu.vector_store %arg9[%swap3A_453], %swap3A_456 {strides = array<i32>} : memref<512xf32, #tpu.memory_space<vmem>>, vector<16xf32>,
    %get3A_457 = arith.constant 368 : index
    %get3A_458 = tpu.vector_load %arg7[%get3A_457] {strides = array<i32>} : memref<512xf32, #tpu.memory_space<vmem>>, vector<16xf32>,
    %get3A_459 = vector.shape_cast %get3A_458 : vector<16xf32> to vector<16xf32>
    %mul3A_460 = arith.mulf %sub3A_87, %get3A_459 : vector<16xf32>
    %swap3A_461 = arith.constant 368 : index
    %swap3A_462 = tpu.vector_load %arg8[%swap3A_461] {strides = array<i32>} : memref<512xf32, #tpu.memory_space<vmem>>, vector<16xf32>,
    %swap3A_463 = vector.shape_cast %swap3A_462 : vector<16xf32> to vector<16xf32>
    %swap3A_464 = vector.shape_cast %mul3A_460 : vector<16xf32> to vector<16xf32>
    tpu.vector_store %arg8[%swap3A_461], %swap3A_464 {strides = array<i32>} : memref<512xf32, #tpu.memory_space<vmem>>, vector<16xf32>,
    %get3A_465 = arith.constant 368 : index
    %get3A_466 = tpu.vector_load %arg7[%get3A_465] {strides = array<i32>} : memref<512xf32, #tpu.memory_space<vmem>>, vector<16xf32>,
    %get3A_467 = vector.shape_cast %get3A_466 : vector<16xf32> to vector<16xf32>
    %mul3A_468 = arith.mulf %neg3A_89, %get3A_467 : vector<16xf32>
    %swap3A_469 = arith.constant 368 : index
    %swap3A_470 = tpu.vector_load %arg9[%swap3A_469] {strides = array<i32>} : memref<512xf32, #tpu.memory_space<vmem>>, vector<16xf32>,
    %swap3A_471 = vector.shape_cast %swap3A_470 : vector<16xf32> to vector<16xf32>
    %swap3A_472 = vector.shape_cast %mul3A_468 : vector<16xf32> to vector<16xf32>
    tpu.vector_store %arg9[%swap3A_469], %swap3A_472 {strides = array<i32>} : memref<512xf32, #tpu.memory_space<vmem>>, vector<16xf32>,
    %get3A_473 = arith.constant 384 : index
    %get3A_474 = tpu.vector_load %arg7[%get3A_473] {strides = array<i32>} : memref<512xf32, #tpu.memory_space<vmem>>, vector<16xf32>,
    %get3A_475 = vector.shape_cast %get3A_474 : vector<16xf32> to vector<16xf32>
    %mul3A_476 = arith.mulf %sub3A_87, %get3A_475 : vector<16xf32>
    %swap3A_477 = arith.constant 384 : index
    %swap3A_478 = tpu.vector_load %arg8[%swap3A_477] {strides = array<i32>} : memref<512xf32, #tpu.memory_space<vmem>>, vector<16xf32>,
    %swap3A_479 = vector.shape_cast %swap3A_478 : vector<16xf32> to vector<16xf32>
    %swap3A_480 = vector.shape_cast %mul3A_476 : vector<16xf32> to vector<16xf32>
    tpu.vector_store %arg8[%swap3A_477], %swap3A_480 {strides = array<i32>} : memref<512xf32, #tpu.memory_space<vmem>>, vector<16xf32>,
    %get3A_481 = arith.constant 384 : index
    %get3A_482 = tpu.vector_load %arg7[%get3A_481] {strides = array<i32>} : memref<512xf32, #tpu.memory_space<vmem>>, vector<16xf32>,
    %get3A_483 = vector.shape_cast %get3A_482 : vector<16xf32> to vector<16xf32>
    %mul3A_484 = arith.mulf %neg3A_89, %get3A_483 : vector<16xf32>
    %swap3A_485 = arith.constant 384 : index
    %swap3A_486 = tpu.vector_load %arg9[%swap3A_485] {strides = array<i32>} : memref<512xf32, #tpu.memory_space<vmem>>, vector<16xf32>,
    %swap3A_487 = vector.shape_cast %swap3A_486 : vector<16xf32> to vector<16xf32>
    %swap3A_488 = vector.shape_cast %mul3A_484 : vector<16xf32> to vector<16xf32>
    tpu.vector_store %arg9[%swap3A_485], %swap3A_488 {strides = array<i32>} : memref<512xf32, #tpu.memory_space<vmem>>, vector<16xf32>,
    %get3A_489 = arith.constant 400 : index
    %get3A_490 = tpu.vector_load %arg7[%get3A_489] {strides = array<i32>} : memref<512xf32, #tpu.memory_space<vmem>>, vector<16xf32>,
    %get3A_491 = vector.shape_cast %get3A_490 : vector<16xf32> to vector<16xf32>
    %mul3A_492 = arith.mulf %sub3A_87, %get3A_491 : vector<16xf32>
    %swap3A_493 = arith.constant 400 : index
    %swap3A_494 = tpu.vector_load %arg8[%swap3A_493] {strides = array<i32>} : memref<512xf32, #tpu.memory_space<vmem>>, vector<16xf32>,
    %swap3A_495 = vector.shape_cast %swap3A_494 : vector<16xf32> to vector<16xf32>
    %swap3A_496 = vector.shape_cast %mul3A_492 : vector<16xf32> to vector<16xf32>
    tpu.vector_store %arg8[%swap3A_493], %swap3A_496 {strides = array<i32>} : memref<512xf32, #tpu.memory_space<vmem>>, vector<16xf32>,
    %get3A_497 = arith.constant 400 : index
    %get3A_498 = tpu.vector_load %arg7[%get3A_497] {strides = array<i32>} : memref<512xf32, #tpu.memory_space<vmem>>, vector<16xf32>,
    %get3A_499 = vector.shape_cast %get3A_498 : vector<16xf32> to vector<16xf32>
    %mul3A_500 = arith.mulf %neg3A_89, %get3A_499 : vector<16xf32>
    %swap3A_501 = arith.constant 400 : index
    %swap3A_502 = tpu.vector_load %arg9[%swap3A_501] {strides = array<i32>} : memref<512xf32, #tpu.memory_space<vmem>>, vector<16xf32>,
    %swap3A_503 = vector.shape_cast %swap3A_502 : vector<16xf32> to vector<16xf32>
    %swap3A_504 = vector.shape_cast %mul3A_500 : vector<16xf32> to vector<16xf32>
    tpu.vector_store %arg9[%swap3A_501], %swap3A_504 {strides = array<i32>} : memref<512xf32, #tpu.memory_space<vmem>>, vector<16xf32>,
    %get3A_505 = arith.constant 416 : index
    %get3A_506 = tpu.vector_load %arg7[%get3A_505] {strides = array<i32>} : memref<512xf32, #tpu.memory_space<vmem>>, vector<16xf32>,
    %get3A_507 = vector.shape_cast %get3A_506 : vector<16xf32> to vector<16xf32>
    %mul3A_508 = arith.mulf %sub3A_87, %get3A_507 : vector<16xf32>
    %swap3A_509 = arith.constant 416 : index
    %swap3A_510 = tpu.vector_load %arg8[%swap3A_509] {strides = array<i32>} : memref<512xf32, #tpu.memory_space<vmem>>, vector<16xf32>,
    %swap3A_511 = vector.shape_cast %swap3A_510 : vector<16xf32> to vector<16xf32>
    %swap3A_512 = vector.shape_cast %mul3A_508 : vector<16xf32> to vector<16xf32>
    tpu.vector_store %arg8[%swap3A_509], %swap3A_512 {strides = array<i32>} : memref<512xf32, #tpu.memory_space<vmem>>, vector<16xf32>,
    %get3A_513 = arith.constant 416 : index
    %get3A_514 = tpu.vector_load %arg7[%get3A_513] {strides = array<i32>} : memref<512xf32, #tpu.memory_space<vmem>>, vector<16xf32>,
    %get3A_515 = vector.shape_cast %get3A_514 : vector<16xf32> to vector<16xf32>
    %mul3A_516 = arith.mulf %neg3A_89, %get3A_515 : vector<16xf32>
    %swap3A_517 = arith.constant 416 : index
    %swap3A_518 = tpu.vector_load %arg9[%swap3A_517] {strides = array<i32>} : memref<512xf32, #tpu.memory_space<vmem>>, vector<16xf32>,
    %swap3A_519 = vector.shape_cast %swap3A_518 : vector<16xf32> to vector<16xf32>
    %swap3A_520 = vector.shape_cast %mul3A_516 : vector<16xf32> to vector<16xf32>
    tpu.vector_store %arg9[%swap3A_517], %swap3A_520 {strides = array<i32>} : memref<512xf32, #tpu.memory_space<vmem>>, vector<16xf32>,
    %get3A_521 = arith.constant 432 : index
    %get3A_522 = tpu.vector_load %arg7[%get3A_521] {strides = array<i32>} : memref<512xf32, #tpu.memory_space<vmem>>, vector<16xf32>,
    %get3A_523 = vector.shape_cast %get3A_522 : vector<16xf32> to vector<16xf32>
    %mul3A_524 = arith.mulf %sub3A_87, %get3A_523 : vector<16xf32>
    %swap3A_525 = arith.constant 432 : index
    %swap3A_526 = tpu.vector_load %arg8[%swap3A_525] {strides = array<i32>} : memref<512xf32, #tpu.memory_space<vmem>>, vector<16xf32>,
    %swap3A_527 = vector.shape_cast %swap3A_526 : vector<16xf32> to vector<16xf32>
    %swap3A_528 = vector.shape_cast %mul3A_524 : vector<16xf32> to vector<16xf32>
    tpu.vector_store %arg8[%swap3A_525], %swap3A_528 {strides = array<i32>} : memref<512xf32, #tpu.memory_space<vmem>>, vector<16xf32>,
    %get3A_529 = arith.constant 432 : index
    %get3A_530 = tpu.vector_load %arg7[%get3A_529] {strides = array<i32>} : memref<512xf32, #tpu.memory_space<vmem>>, vector<16xf32>,
    %get3A_531 = vector.shape_cast %get3A_530 : vector<16xf32> to vector<16xf32>
    %mul3A_532 = arith.mulf %neg3A_89, %get3A_531 : vector<16xf32>
    %swap3A_533 = arith.constant 432 : index
    %swap3A_534 = tpu.vector_load %arg9[%swap3A_533] {strides = array<i32>} : memref<512xf32, #tpu.memory_space<vmem>>, vector<16xf32>,
    %swap3A_535 = vector.shape_cast %swap3A_534 : vector<16xf32> to vector<16xf32>
    %swap3A_536 = vector.shape_cast %mul3A_532 : vector<16xf32> to vector<16xf32>
    tpu.vector_store %arg9[%swap3A_533], %swap3A_536 {strides = array<i32>} : memref<512xf32, #tpu.memory_space<vmem>>, vector<16xf32>,
    %get3A_537 = arith.constant 448 : index
    %get3A_538 = tpu.vector_load %arg7[%get3A_537] {strides = array<i32>} : memref<512xf32, #tpu.memory_space<vmem>>, vector<16xf32>,
    %get3A_539 = vector.shape_cast %get3A_538 : vector<16xf32> to vector<16xf32>
    %mul3A_540 = arith.mulf %sub3A_87, %get3A_539 : vector<16xf32>
    %swap3A_541 = arith.constant 448 : index
    %swap3A_542 = tpu.vector_load %arg8[%swap3A_541] {strides = array<i32>} : memref<512xf32, #tpu.memory_space<vmem>>, vector<16xf32>,
    %swap3A_543 = vector.shape_cast %swap3A_542 : vector<16xf32> to vector<16xf32>
    %swap3A_544 = vector.shape_cast %mul3A_540 : vector<16xf32> to vector<16xf32>
    tpu.vector_store %arg8[%swap3A_541], %swap3A_544 {strides = array<i32>} : memref<512xf32, #tpu.memory_space<vmem>>, vector<16xf32>,
    %get3A_545 = arith.constant 448 : index
    %get3A_546 = tpu.vector_load %arg7[%get3A_545] {strides = array<i32>} : memref<512xf32, #tpu.memory_space<vmem>>, vector<16xf32>,
    %get3A_547 = vector.shape_cast %get3A_546 : vector<16xf32> to vector<16xf32>
    %mul3A_548 = arith.mulf %neg3A_89, %get3A_547 : vector<16xf32>
    %swap3A_549 = arith.constant 448 : index
    %swap3A_550 = tpu.vector_load %arg9[%swap3A_549] {strides = array<i32>} : memref<512xf32, #tpu.memory_space<vmem>>, vector<16xf32>,
    %swap3A_551 = vector.shape_cast %swap3A_550 : vector<16xf32> to vector<16xf32>
    %swap3A_552 = vector.shape_cast %mul3A_548 : vector<16xf32> to vector<16xf32>
    tpu.vector_store %arg9[%swap3A_549], %swap3A_552 {strides = array<i32>} : memref<512xf32, #tpu.memory_space<vmem>>, vector<16xf32>,
    %get3A_553 = arith.constant 464 : index
    %get3A_554 = tpu.vector_load %arg7[%get3A_553] {strides = array<i32>} : memref<512xf32, #tpu.memory_space<vmem>>, vector<16xf32>,
    %get3A_555 = vector.shape_cast %get3A_554 : vector<16xf32> to vector<16xf32>
    %mul3A_556 = arith.mulf %sub3A_87, %get3A_555 : vector<16xf32>
    %swap3A_557 = arith.constant 464 : index
    %swap3A_558 = tpu.vector_load %arg8[%swap3A_557] {strides = array<i32>} : memref<512xf32, #tpu.memory_space<vmem>>, vector<16xf32>,
    %swap3A_559 = vector.shape_cast %swap3A_558 : vector<16xf32> to vector<16xf32>
    %swap3A_560 = vector.shape_cast %mul3A_556 : vector<16xf32> to vector<16xf32>
    tpu.vector_store %arg8[%swap3A_557], %swap3A_560 {strides = array<i32>} : memref<512xf32, #tpu.memory_space<vmem>>, vector<16xf32>,
    %get3A_561 = arith.constant 464 : index
    %get3A_562 = tpu.vector_load %arg7[%get3A_561] {strides = array<i32>} : memref<512xf32, #tpu.memory_space<vmem>>, vector<16xf32>,
    %get3A_563 = vector.shape_cast %get3A_562 : vector<16xf32> to vector<16xf32>
    %mul3A_564 = arith.mulf %neg3A_89, %get3A_563 : vector<16xf32>
    %swap3A_565 = arith.constant 464 : index
    %swap3A_566 = tpu.vector_load %arg9[%swap3A_565] {strides = array<i32>} : memref<512xf32, #tpu.memory_space<vmem>>, vector<16xf32>,
    %swap3A_567 = vector.shape_cast %swap3A_566 : vector<16xf32> to vector<16xf32>
    %swap3A_568 = vector.shape_cast %mul3A_564 : vector<16xf32> to vector<16xf32>
    tpu.vector_store %arg9[%swap3A_565], %swap3A_568 {strides = array<i32>} : memref<512xf32, #tpu.memory_space<vmem>>, vector<16xf32>,
    %get3A_569 = arith.constant 480 : index
    %get3A_570 = tpu.vector_load %arg7[%get3A_569] {strides = array<i32>} : memref<512xf32, #tpu.memory_space<vmem>>, vector<16xf32>,
    %get3A_571 = vector.shape_cast %get3A_570 : vector<16xf32> to vector<16xf32>
    %mul3A_572 = arith.mulf %sub3A_87, %get3A_571 : vector<16xf32>
    %swap3A_573 = arith.constant 480 : index
    %swap3A_574 = tpu.vector_load %arg8[%swap3A_573] {strides = array<i32>} : memref<512xf32, #tpu.memory_space<vmem>>, vector<16xf32>,
    %swap3A_575 = vector.shape_cast %swap3A_574 : vector<16xf32> to vector<16xf32>
    %swap3A_576 = vector.shape_cast %mul3A_572 : vector<16xf32> to vector<16xf32>
    tpu.vector_store %arg8[%swap3A_573], %swap3A_576 {strides = array<i32>} : memref<512xf32, #tpu.memory_space<vmem>>, vector<16xf32>,
    %get3A_577 = arith.constant 480 : index
    %get3A_578 = tpu.vector_load %arg7[%get3A_577] {strides = array<i32>} : memref<512xf32, #tpu.memory_space<vmem>>, vector<16xf32>,
    %get3A_579 = vector.shape_cast %get3A_578 : vector<16xf32> to vector<16xf32>
    %mul3A_580 = arith.mulf %neg3A_89, %get3A_579 : vector<16xf32>
    %swap3A_581 = arith.constant 480 : index
    %swap3A_582 = tpu.vector_load %arg9[%swap3A_581] {strides = array<i32>} : memref<512xf32, #tpu.memory_space<vmem>>, vector<16xf32>,
    %swap3A_583 = vector.shape_cast %swap3A_582 : vector<16xf32> to vector<16xf32>
    %swap3A_584 = vector.shape_cast %mul3A_580 : vector<16xf32> to vector<16xf32>
    tpu.vector_store %arg9[%swap3A_581], %swap3A_584 {strides = array<i32>} : memref<512xf32, #tpu.memory_space<vmem>>, vector<16xf32>,
    %get3A_585 = arith.constant 496 : index
    %get3A_586 = tpu.vector_load %arg7[%get3A_585] {strides = array<i32>} : memref<512xf32, #tpu.memory_space<vmem>>, vector<16xf32>,
    %get3A_587 = vector.shape_cast %get3A_586 : vector<16xf32> to vector<16xf32>
    %mul3A_588 = arith.mulf %sub3A_87, %get3A_587 : vector<16xf32>
    %swap3A_589 = arith.constant 496 : index
    %swap3A_590 = tpu.vector_load %arg8[%swap3A_589] {strides = array<i32>} : memref<512xf32, #tpu.memory_space<vmem>>, vector<16xf32>,
    %swap3A_591 = vector.shape_cast %swap3A_590 : vector<16xf32> to vector<16xf32>
    %swap3A_592 = vector.shape_cast %mul3A_588 : vector<16xf32> to vector<16xf32>
    tpu.vector_store %arg8[%swap3A_589], %swap3A_592 {strides = array<i32>} : memref<512xf32, #tpu.memory_space<vmem>>, vector<16xf32>,
    %get3A_593 = arith.constant 496 : index
    %get3A_594 = tpu.vector_load %arg7[%get3A_593] {strides = array<i32>} : memref<512xf32, #tpu.memory_space<vmem>>, vector<16xf32>,
    %get3A_595 = vector.shape_cast %get3A_594 : vector<16xf32> to vector<16xf32>
    %mul3A_596 = arith.mulf %neg3A_89, %get3A_595 : vector<16xf32>
    %swap3A_597 = arith.constant 496 : index
    %swap3A_598 = tpu.vector_load %arg9[%swap3A_597] {strides = array<i32>} : memref<512xf32, #tpu.memory_space<vmem>>, vector<16xf32>,
    %swap3A_599 = vector.shape_cast %swap3A_598 : vector<16xf32> to vector<16xf32>
    %swap3A_600 = vector.shape_cast %mul3A_596 : vector<16xf32> to vector<16xf32>
    tpu.vector_store %arg9[%swap3A_597], %swap3A_600 {strides = array<i32>} : memref<512xf32, #tpu.memory_space<vmem>>, vector<16xf32>,
    %dma_start3A_601 = tpu.memref_slice %arg4[%multiple_of3A] : memref<8192xf32, #tpu.memory_space<hbm>> -> memref<512xf32, #tpu.memory_space<hbm>>
    %dma_start3A_602 = tpu.memref_slice %arg4[%multiple_of3A] : memref<8192xf32, #tpu.memory_space<hbm>> -> memref<512xf32, #tpu.memory_space<hbm>>
    tpu.enqueue_dma source(%arg8 : memref<512xf32, #tpu.memory_space<vmem>>) target(%dma_start3A_602 : memref<512xf32, #tpu.memory_space<hbm>>) target_semaphore(%arg11 : memref<!tpu.dma_semaphore, #tpu.memory_space<semaphore_mem>>)
    %dma_start3A_603 = tpu.memref_slice %arg5[%multiple_of3A_4] : memref<8192xf32, #tpu.memory_space<hbm>> -> memref<512xf32, #tpu.memory_space<hbm>>
    %dma_start3A_604 = tpu.memref_slice %arg5[%multiple_of3A_4] : memref<8192xf32, #tpu.memory_space<hbm>> -> memref<512xf32, #tpu.memory_space<hbm>>
    tpu.enqueue_dma source(%arg9 : memref<512xf32, #tpu.memory_space<vmem>>) target(%dma_start3A_604 : memref<512xf32, #tpu.memory_space<hbm>>) target_semaphore(%arg11 : memref<!tpu.dma_semaphore, #tpu.memory_space<semaphore_mem>>)
    %dma_wait3A_605 = tpu.memref_slice %arg4[%multiple_of3A] : memref<8192xf32, #tpu.memory_space<hbm>> -> memref<512xf32, #tpu.memory_space<hbm>>
    %dma_wait3A_606 = tpu.memref_slice %arg4[%multiple_of3A] : memref<8192xf32, #tpu.memory_space<hbm>> -> memref<512xf32, #tpu.memory_space<hbm>>
    tpu.wait_dma2 semaphore(%arg11 : memref<!tpu.dma_semaphore, #tpu.memory_space<semaphore_mem>>) src(%arg8 : memref<512xf32, #tpu.memory_space<vmem>>) dst(%dma_wait3A_606 : memref<512xf32, #tpu.memory_space<hbm>>)
    %dma_wait3A_607 = tpu.memref_slice %arg5[%multiple_of3A_4] : memref<8192xf32, #tpu.memory_space<hbm>> -> memref<512xf32, #tpu.memory_space<hbm>>
    %dma_wait3A_608 = tpu.memref_slice %arg5[%multiple_of3A_4] : memref<8192xf32, #tpu.memory_space<hbm>> -> memref<512xf32, #tpu.memory_space<hbm>>
    tpu.wait_dma2 semaphore(%arg11 : memref<!tpu.dma_semaphore, #tpu.memory_space<semaphore_mem>>) src(%arg9 : memref<512xf32, #tpu.memory_space<vmem>>) dst(%dma_wait3A_608 : memref<512xf32, #tpu.memory_space<hbm>>)
    return
  }
}

</mosaic_0001>

<sc_bundles>
// kernel: _crx_call.3.cloned.1.call-start
scs
__scs_entry_jumppad:
0x0: {  	(pc) =	sbr.rel $0x88, $3  }
0x1: {  	(tag) =	ssettag $0x0;
	lr =	simm.s32 $0x1  }
0x2: {  	[smem:$0x3F9F] =	sst lr;
	_ =	strace $0xD0000000  }
0x3: {  	_ = 	snop  }
0x4: {  	_ = 	snop  }
0x5: {  	_ = 	snop  }
0x6: {  	_ = 	snop  }
0x7: {  	_ = 	snop  }
__scs_overlays_trampoline_lowered:
0x8: {  	[smem:$0x3FAE] =	sst s0  }
0x9: {  	[smem:$0x3FAF] =	sst s1  }
0xa: {  	[smem:$0x3FB0] =	sst s2  }
0xb: {  	[smem:$0x3FB1] =	sst s3  }
0xc: {  	[smem:$0x3FB2] =	sst s4  }
0xd: {  	[smem:$0x3FB3] =	sst s5  }
0xe: {  	[smem:$0x3FB4] =	sst s6  }
0xf: {  	[smem:$0x3FB5] =	sst s7  }
0x10: {  	[smem:$0x3FB6] =	sst s8  }
0x11: {  	[smem:$0x3FB7] =	sst s9;
	s0 =	simm.s32 @!p0 $0x0  }
0x12: {  	s1 =	sld [smem:$0x3F9D];
	s0 =	simm.s32 @p0 $0x1  }
0x13: {  	[smem:$0x3FB8] =	sst s0;
	s0 =	simm.s32 @!p1 $0x0  }
0x14: {  	s2 =	sld [smem:$0x3F9C];
	s0 =	simm.s32 @p1 $0x1  }
0x15: {  	[smem:$0x3FB9] =	sst s0;
	s0 =	simm.s32 @!p2 $0x0  }
0x16: {  	s3 =	sld [smem:$0x3FDB];
	s0 =	simm.s32 @p2 $0x1  }
0x17: {  	s4 =	simm.s32 $0x1BF5;
	[smem:$0x3FBB] =	sst s0  }
0x18: {  	s0 =	sld [smem:$0x3F9E];
	_ =	swait.ge [sflag:s4], $0x0  }
0x19: {  	s7 =	sld [smem:$0x3F9F]  }
0x1a: {  	s8 =	sadd.s32 $0xFFFFE003, lr  }
0x1b: {  	s9 =	sadd.s32 $0xFFFFFEF7, lr;
	s5 =	simm.s32 $0xFFFFFFFF;
	p2 =	slt.u32 s8, $0xFFFFF086  }
0x1c: {  	p1 =	slt.u32 s9, $0xF7A;
	s5 =	simm.s32 @!p2 $0x0  }
0x1d: {  	s5 =	simm.s32 @p1 $0x1;
	p0 =	seq.s32 s7, s2  }
0x1e: {  	s7 =	smul.u32 @!p0 $0xF7A, s2;
	p2 =	seq.s32 @!p0 s5, $0x0  }
0x1f: {  	s9 =	smul.u32 $0xF7A, s1;
	s8 =	simm.s32 @!p0 $0x1BF5;
	p2 =	por !p2, p0  }
0x20: {  	[sflag:s8] =	ssyncset.s32 @!p0 $0xFFFFF086;
	s6 =	sadd.s32 @!p0 s3, s7;
	s7 =	simm.s32 @!p0 $0x108  }
0x21: {  	s3 =	sadd.s32 s3, s9;
	s6 =	sadd.s32 @!p0 $0x88, s6;
	s7 =	simm.s32 @p2 $0x1082  }
0x22: {  	[simem:s7], [sflag:s8] =	dma.local @!p0 [hbm:s6], $0xF7A  }
0x23: {  	s9 =	sor.u32 $0xD0000000, s2;
	s6 =	simm.s32 $0x108;
	_ =	swait.ge @!p0 [sflag:s8], $0x0  }
0x24: {  	s3 =	sadd.s32 $0x88, s3;
	s6 =	simm.s32 @!p1 $0x1082;
	[sflag:s4] =	ssyncset.s32 $0xFFFFF086  }
0x25: {  	[simem:s6], [sflag:s4] =	dma.local [hbm:s3], $0xF7A  }
0x26: {  	[smem:$0x3F9F] =	sst s1;
	(tag) =	ssettag s2;
	_ =	strace s9  }
0x27: {  	s1 =	sld [smem:$0x3FAF]  }
0x28: {  	s2 =	sld [smem:$0x3FB0]  }
0x29: {  	s4 =	sld [smem:$0x3FB2]  }
0x2a: {  	p0 =	seq.s32 s5, $0x0;
	s5 =	sld [smem:$0x3FB3]  }
0x2b: {  	s6 =	sld [smem:$0x3FB4]  }
0x2c: {  	s7 =	sld [smem:$0x3FB5]  }
0x2d: {  	s3 =	simm.s32 $0x108;
	s8 =	sld [smem:$0x3FB6]  }
0x2e: {  	s3 =	simm.s32 @!p0 $0x1082;
	s9 =	sld [smem:$0x3FB7]  }
0x2f: {  	lr =	sadd.s32 s0, s3;
	s0 =	sld [smem:$0x3FAE]  }
0x30: {  	s3 =	sld [smem:$0x3FB1]  }
0x31: {  	[smem:$0x3FBA] =	sst s10  }
0x32: {  	s10 =	sld [smem:$0x3FB8];
	_ =	sdelay $0x3  }
0x33: {  	p0 =	seq.s32 s10, $0x1;
	s10 =	sld [smem:$0x3FBA];
	_ =	sdelay $0x3  }
0x34: {  	[smem:$0x3FBA] =	sst s10  }
0x35: {  	s10 =	sld [smem:$0x3FB9];
	_ =	sdelay $0x3  }
0x36: {  	p1 =	seq.s32 s10, $0x1;
	s10 =	sld [smem:$0x3FBA];
	_ =	sdelay $0x3  }
0x37: {  	[smem:$0x3FBA] =	sst s10  }
0x38: {  	s10 =	sld [smem:$0x3FBB]  }
0x39: {  	_ = 	snop;
	(pc) =	sbr.ind lr, $3  }
0x3a: {  	_ = 	snop  }
0x3b: {  	_ = 	snop  }
0x3c: {  	p2 =	seq.s32 s10, $0x1;
	s10 =	sld [smem:$0x3FBA]  }
0x3d: {  	_ =	shalt  }
0x3e: {  	_ =	shalt  }
0x3f: {  	_ =	shalt  }
0x40: {  	_ =	shalt  }
0x41: {  	_ =	shalt  }
0x42: {  	_ =	shalt  }
0x43: {  	_ =	shalt  }
0x44: {  	_ =	shalt  }
0x45: {  	_ =	shalt  }
0x46: {  	_ =	shalt  }
0x47: {  	_ =	shalt  }
0x48: {  	_ =	shalt  }
0x49: {  	_ =	shalt  }
0x4a: {  	_ =	shalt  }
0x4b: {  	_ =	shalt  }
0x4c: {  	_ =	shalt  }
0x4d: {  	_ =	shalt  }
0x4e: {  	_ =	shalt  }
0x4f: {  	_ =	shalt  }
0x50: {  	_ =	shalt  }
0x51: {  	_ =	shalt  }
0x52: {  	_ =	shalt  }
0x53: {  	_ =	shalt  }
0x54: {  	_ =	shalt  }
0x55: {  	_ =	shalt  }
0x56: {  	_ =	shalt  }
0x57: {  	_ =	shalt  }
0x58: {  	_ =	shalt  }
0x59: {  	_ =	shalt  }
0x5a: {  	_ =	shalt  }
0x5b: {  	_ =	shalt  }
0x5c: {  	_ =	shalt  }
0x5d: {  	_ =	shalt  }
0x5e: {  	_ =	shalt  }
0x5f: {  	_ =	shalt  }
0x60: {  	_ =	shalt  }
0x61: {  	_ =	shalt  }
0x62: {  	_ =	shalt  }
0x63: {  	_ =	shalt  }
0x64: {  	_ =	shalt  }
0x65: {  	_ =	shalt  }
0x66: {  	_ =	shalt  }
0x67: {  	_ =	shalt  }
0x68: {  	_ =	shalt  }
0x69: {  	_ =	shalt  }
0x6a: {  	_ =	shalt  }
0x6b: {  	_ =	shalt  }
0x6c: {  	_ =	shalt  }
0x6d: {  	_ =	shalt  }
0x6e: {  	_ =	shalt  }
0x6f: {  	_ =	shalt  }
0x70: {  	_ =	shalt  }
0x71: {  	_ =	shalt  }
0x72: {  	_ =	shalt  }
0x73: {  	_ =	shalt  }
0x74: {  	_ =	shalt  }
0x75: {  	_ =	shalt  }
0x76: {  	_ =	shalt  }
0x77: {  	_ =	shalt  }
0x78: {  	_ =	shalt  }
0x79: {  	_ =	shalt  }
0x7a: {  	_ =	shalt  }
0x7b: {  	_ =	shalt  }
0x7c: {  	_ =	shalt  }
0x7d: {  	_ =	shalt  }
0x7e: {  	_ =	shalt  }
0x7f: {  	_ =	shalt  }
0x80: {  	_ =	shalt  }
0x81: {  	_ =	shalt  }
0x82: {  	_ =	shalt  }
0x83: {  	_ =	shalt  }
0x84: {  	_ =	shalt  }
0x85: {  	_ =	shalt  }
0x86: {  	_ =	shalt  }
0x87: {  	_ =	shalt  }
.Lfunc_end0:
.L_simem_size_0:
called_computation_lowered:
.L_overlay_start_0:
0x88: {  	s0 =	sld [smem:$0x3FD9]  }
0x89: {  	s1 =	sld [smem:$0x3FFE];
	_ =	sdelay $0x3  }
0x8a: {  	s0 =	sadd.s32 s1, s0  }
0x8b: {  	[smem:$0x3FC6] =	sst s0  }
0x8c: {  	_ = 	snop  }
0x8d: {  	s0 =	sld [smem:$0x3FD0];
	_ =	sdelay $0x1  }
0x8e: {  	s14 =	sld [smem:$0x3FC9]  }
0x8f: {  	s3 =	simm.s32 $0xA;
	s4 =	simm.s32 $0x10;
	s2 =	sld [smem:$0x3FC8]  }
0x90: {  	[smem:s4], [sflag:s3] =	dma.local [hbm:s0], $0x1  }
0x91: {  	_ =	swait.eq [sflag:s3], $0x1  }
0x92: {  	[sflag:s3] =	ssyncset.done $0x0  }
0x93: {  	s15 =	sld [smem:$0x10];
	[sflag:s3] =	ssyncadd.s32 $0xFFFFFFFF  }
0x94: {  	s16 =	sld [smem:$0x11];
	(tm) =	ssettm $0x1  }
0x95: {  	s17 =	sld [smem:$0x3FFB];
	_ =	sdelay $0x3  }
0x96: {  	_ =	strace s17  }
0x97: {  	s4 =	sld [smem:$0x3FFC];
	_ =	sdelay $0x3  }
0x98: {  	_ =	strace s4  }
0x99: {  	s4 =	sld [smem:$0x3FFD];
	_ =	sdelay $0x3  }
0x9a: {  	_ =	strace s4  }
0x9b: {  	_ =	strace $0x8FFFFFFF  }
0x9c: {  	s18 =	sld [smem:$0x3FDB];
	_ =	sdelay $0x1  }
0x9d: {  	s5 =	simm.s32 $_scs_section_size  }
0x9e: {  	s6 =	simm.s32 $_size__tile_overlayer_lowered;
	s7 =	simm.s32 $_tile_overlayer_lowered  }
0x9f: {  	s21 =	simm.s32 $0x1BFF;
	s20 =	sshll.u32 s7, $0x1;
	s4 =	sadd.s32 s5, s18  }
0xa0: {  	s8 =	simm.s32 $0x0;
	s19 =	sshll.u32 s6, $0x1;
	s6 =	sadd.s32 s20, s4  }
0xa1: {  	[timem:s8], [sflag:s21] =	dma.local [hbm:s6], s19  }
0xa2: {  	_ =	swait.ge [sflag:s21], s19  }
0xa3: {  	s5 =	ssub.s32 $0x0, s19;
	[sflag:s21] =	ssyncset.done $0x0  }
0xa4: {  	[sflag:s21] =	ssyncadd.s32 s5;
	_ =	sdelay $0x1  }
0xa5: {  	s22 =	simm.s32 $0x1B8B  }
0xa6: {  	_ =	swait.ge [sflag:s22], $0x1  }
0xa7: {  	[sflag:s22] =	ssyncset.done $0x0  }
0xa8: {  	s23 =	simm.s32 $0x1B8E;
	[sflag:s22] =	ssyncadd.s32 $0xFFFFFFFF  }
0xa9: {  	s24 =	simm.s32 $execute0_lowered;
	[smem:$0x3FD2] =	sst s23  }
0xaa: {  	s5 =	sshll.u32 s24, $0x1;
	_ =	strace $0x80000046;
	[dreg:$0x1] =	wrdreg $0xFFFFFFFF  }
0xab: {  	s25 =	simm.s32 $_size_execute0_lowered;
	s4 =	sadd.s32 s4, s5;
	[dreg:$0x0] =	wrdreg $0x0  }
0xac: {  	s5 =	sshll.u32 s25, $0x1;
	[dreg:$0x2] =	wrdreg s4  }
0xad: {  	[dreg:$0x3] =	wrdreg s5  }
0xae: {  	[dreg:$0x4] =	wrdreg $0xC0  }
0xaf: {  	_ =	task [dreg:s8], $0x5FFFF  }
0xb0: {  	[dreg:$0x1] =	wrdreg $0xFFFFFFFF  }
0xb1: {  	[dreg:$0x0] =	wrdreg $0x60  }
0xb2: {  	[dreg:$0x2] =	wrdreg s14  }
0xb3: {  	[dreg:$0x3] =	wrdreg s2  }
0xb4: {  	[dreg:$0x4] =	wrdreg s15  }
0xb5: {  	[dreg:$0x5] =	wrdreg s16  }
0xb6: {  	[dreg:$0x6] =	wrdreg $0x9  }
0xb7: {  	_ =	task.clear_ibuf [dreg:s8], $0x7FFFF;
	_ =	strace $0x90000046  }
0xb8: {  	s26 =	simm.s32 $0x9;
	_ =	strace $0x80000048  }
0xb9: {  	_ =	swait.ge [sflag:s26], $0x1  }
0xba: {  	[sflag:s26] =	ssyncadd.s32 $0xFFFFFFFF  }
0xbb: {  	_ =	strace $0x90000048  }
0xbc: {  	_ =	sfence  }
0xbd: {  	s28 =	sld [smem:$0x0];
	_ =	sdelay $0x1  }
0xbe: {  	s29 =	srdreg.scid  }
0xbf: {  	s30 =	sshll.u32 s29, $0xD;
	s31 =	sshrl.u32 s29, $0x2  }
0xc0: {  	s1 =	sand.u32 $0x1, s29;
	s2 =	sand.u32 $0x4000, s30;
	s0 =	sadd.s32 s31, s28  }
0xc1: {  	s1 =	sor.u32 s2, s1;
	s0 =	sshll.u32 s0, $0x11  }
0xc2: {  	s0 =	sor.u32 s0, s1  }
0xc3: {  	s0 =	sadd.s32 $0x8F2B, s0  }
0xc4: {  	[sflag:s0] =	ssyncadd.remote.s32 $0x1  }
0xc5: {  	_ =	sfence.sel $0xFFFF  }
0xc6: {  	[dreg:$0x0] =	wrdreg $0xFFFFFFFF;
	(pc) =	sbr.abs _section_cstart, $3  }
0xc7: {  	[dreg:$0x1] =	wrdreg $0xFFFFFFFF  }
0xc8: {  	_ =	task.clear_ibuf [dreg:s8], $0x2FFFF;
	_ =	strace $0x9FFFFFFF  }
0xc9: {  	(tm) =	ssettm $0x7FFFFFFF  }
tec
execute0_lowered:
.L_overlay_start_1:
0x0: {  	(tag) =	ssettag $0x1  }
0x1: {  	s6 =	rddreg [dreg:$0x0]  }
0x2: {  	s7 =	rddreg [dreg:$0x1]  }
0x3: {  	s4 =	rddreg [dreg:$0x2]  }
0x4: {  	s2 =	rddreg [dreg:$0x3];
	s3 =	simm.s32 $0x0  }
0x5: {  	s1 =	stileid.u32;
	[smem:$0x7FF] =	sst s3  }
0x6: {  	s0 =	rddreg [dreg:$0x4];
	s5 =	sshll.u32 s1, $0x6;
	_ =	strace $0x80000047  }
0x7: {  	[tilespmem:s3], [sflag:$0x1] =	stream.linear.gather [hbm4b:s7+s3], $0x80, $0x38;
	[tilespmem:$0x680] =	vst v63  }
0x8: {  	s26 =	simm.s32 $0x80;
	s28 =	simm.s32 $0x1;
	s6 =	sadd.s32 s6, s5  }
0x9: {  	[tilespmem:s26], [sflag:$0x1] =	stream.linear.gather [hbm4b:s6+s3], $0x200, $0x38;
	[tilespmem:$0x680] =	vst v63  }
0xa: {  	_ =	swait.ge [sflag:s28], $0x80  }
0xb: {  	[sflag:s28] =	ssyncset.done $0x0  }
0xc: {  	[sflag:s28] =	ssyncadd.s32 $0xFFFFFF80  }
0xd: {  	_ =	swait.ge [sflag:s28], $0x200  }
0xe: {  	[sflag:s28] =	ssyncset.done $0x0  }
0xf: {  	[sflag:s28] =	ssyncadd.s32 $0xFFFFFE00  }
0x10: {  	v0 =	vld [tilespmem:$0x0];
	_ =	sdelay $0x2  }
0x11: {  	p0 =	slt.u32 s1, $0x8;
	s6 =	simm.f32 $0.0e+00  }
0x12: {  	s6 =	simm.s32 @!p0 $0x3F000000  }
0x13: {  	v0 =	vmul.f32 s6, v0;
	_ =	sdelay $0x1  }
0x14: {  	v1 =	vmul.f32 $1.591549370e-01, v0;
	_ =	sdelay $0x1  }
0x15: {  	v2 =	vimm.f32 $-5.000000000e-01;
	vm0 =	vge.f32 v1, $0.0e+00  }
0x16: {  	v2 =	vsel vm0, $0x3F000000, v2  }
0x17: {  	v1 =	vadd.f32 v2, v1;
	_ =	sdelay $0x1  }
0x18: {  	v1 =	vtrunc.f32 v1  }
0x19: {  	v1 =	vcvt.f32.s32 v1;
	_ =	sdelay $0x1  }
0x1a: {  	v1 =	vcvt.s32.f32 v1;
	_ =	sdelay $0x1  }
0x1b: {  	v49 =	vmul.f32 $-6.281250000e+00, v1;
	_ =	sdelay $0x1  }
0x1c: {  	v1 =	vmul.f32 $-1.935307170e-03, v1;
	v0 =	vadd.f32 v49, v0;
	_ =	sdelay $0x1  }
0x1d: {  	v0 =	vadd.f32 v1, v0;
	_ =	sdelay $0x1  }
0x1e: {  	v0 =	vmul.f32 $5.000000000e-01, v0;
	_ =	sdelay $0x1  }
0x1f: {  	v50 =	vmul.f32 v0, v0;
	_ =	sdelay $0x1  }
0x20: {  	v51 =	vmul.f32 $2.755731880e-06, v50  }
0x21: {  	v3 =	vmul.f32 $-2.755732000e-07, v50  }
0x22: {  	v2 =	vadd.f32 $-1.984127010e-04, v51  }
0x23: {  	v3 =	vadd.f32 $2.480158760e-05, v3  }
0x24: {  	v2 =	vmul.f32 v2, v50  }
0x25: {  	v3 =	vmul.f32 v3, v50  }
0x26: {  	v2 =	vadd.f32 $8.333333770e-03, v2  }
0x27: {  	v3 =	vadd.f32 $-1.388888920e-03, v3  }
0x28: {  	v2 =	vmul.f32 v2, v50  }
0x29: {  	v3 =	vmul.f32 v3, v50  }
0x2a: {  	v2 =	vadd.f32 $-1.666666720e-01, v2  }
0x2b: {  	v3 =	vadd.f32 $4.166666790e-02, v3  }
0x2c: {  	v2 =	vmul.f32 v2, v50  }
0x2d: {  	v3 =	vmul.f32 v3, v50  }
0x2e: {  	v2 =	vadd.f32 $1.000000000e+00, v2  }
0x2f: {  	v3 =	vadd.f32 $-5.000000000e-01, v3  }
0x30: {  	v0 =	vmul.f32 v2, v0  }
0x31: {  	v1 =	vmul.f32 v3, v50  }
0x32: {  	v2 =	vadd.f32 v0, v0  }
0x33: {  	v52 =	vld [tilespmem:$0x80];
	v1 =	vadd.f32 $1.000000000e+00, v1  }
0x34: {  	v4 =	vld [tilespmem:$0x80];
	v0 =	vmul.f32 v2, v0  }
0x35: {  	v53 =	vld [tilespmem:$0x90];
	v1 =	vmul.f32 v1, v2  }
0x36: {  	v5 =	vld [tilespmem:$0x90];
	v0 =	vsub.f32 $1.000000000e+00, v0  }
0x37: {  	v6 =	vld [tilespmem:$0xA0];
	v1 =	vsub.f32 $0.0e+00, v1  }
0x38: {  	v7 =	vld [tilespmem:$0xA0];
	v3 =	vmul.f32 v0, v52  }
0x39: {  	v8 =	vld [tilespmem:$0xB0];
	v4 =	vmul.f32 v1, v4  }
0x3a: {  	v56 =	vld [tilespmem:$0xC0];
	v2 =	vmul.f32 v0, v53;
	[tilespmem:$0x280] =	vst v3  }
0x3b: {  	v58 =	vld [tilespmem:$0xC0];
	v55 =	vmul.f32 v1, v5;
	[tilespmem:$0x480] =	vst v4  }
0x3c: {  	v60 =	vld [tilespmem:$0xD0];
	v57 =	vmul.f32 v0, v6;
	[tilespmem:$0x290] =	vst v2  }
0x3d: {  	v62 =	vld [tilespmem:$0xD0];
	v59 =	vmul.f32 v1, v7;
	[tilespmem:$0x490] =	vst v55  }
0x3e: {  	v63 =	vld [tilespmem:$0xE0];
	v61 =	vmul.f32 v0, v8;
	[tilespmem:$0x2A0] =	vst v57  }
0x3f: {  	v13 =	vld [tilespmem:$0xE0];
	v12 =	vmul.f32 v0, v56;
	[tilespmem:$0x4A0] =	vst v59  }
0x40: {  	v15 =	vld [tilespmem:$0xF0];
	v14 =	vmul.f32 v1, v58;
	[tilespmem:$0x2B0] =	vst v61  }
0x41: {  	v17 =	vld [tilespmem:$0xF0];
	v16 =	vmul.f32 v0, v60;
	[tilespmem:$0x2C0] =	vst v12  }
0x42: {  	v19 =	vld [tilespmem:$0x100];
	v18 =	vmul.f32 v1, v62;
	[tilespmem:$0x4C0] =	vst v14  }
0x43: {  	v21 =	vld [tilespmem:$0x100];
	v20 =	vmul.f32 v63, v0;
	[tilespmem:$0x2D0] =	vst v16  }
0x44: {  	v23 =	vld [tilespmem:$0x110];
	v22 =	vmul.f32 v13, v1;
	[tilespmem:$0x4D0] =	vst v18  }
0x45: {  	v25 =	vld [tilespmem:$0x110];
	v24 =	vmul.f32 v15, v0;
	[tilespmem:$0x2E0] =	vst v20  }
0x46: {  	v27 =	vld [tilespmem:$0x120];
	v26 =	vmul.f32 v17, v1;
	[tilespmem:$0x4E0] =	vst v22  }
0x47: {  	v29 =	vld [tilespmem:$0x120];
	v28 =	vmul.f32 v19, v0;
	[tilespmem:$0x2F0] =	vst v24  }
0x48: {  	v31 =	vld [tilespmem:$0x130];
	v30 =	vmul.f32 v21, v1;
	[tilespmem:$0x4F0] =	vst v26  }
0x49: {  	v33 =	vld [tilespmem:$0x130];
	v32 =	vmul.f32 v23, v0;
	[tilespmem:$0x300] =	vst v28  }
0x4a: {  	v35 =	vld [tilespmem:$0x140];
	v34 =	vmul.f32 v25, v1;
	[tilespmem:$0x500] =	vst v30  }
0x4b: {  	v37 =	vld [tilespmem:$0x140];
	v36 =	vmul.f32 v27, v0;
	[tilespmem:$0x310] =	vst v32  }
0x4c: {  	v39 =	vld [tilespmem:$0x150];
	v38 =	vmul.f32 v29, v1;
	[tilespmem:$0x510] =	vst v34  }
0x4d: {  	v41 =	vld [tilespmem:$0x150];
	v40 =	vmul.f32 v31, v0;
	[tilespmem:$0x320] =	vst v36  }
0x4e: {  	v43 =	vld [tilespmem:$0x160];
	v42 =	vmul.f32 v33, v1;
	[tilespmem:$0x520] =	vst v38  }
0x4f: {  	v47 =	vld [tilespmem:$0x170];
	v44 =	vmul.f32 v35, v0;
	[tilespmem:$0x330] =	vst v40  }
0x50: {  	v49 =	vld [tilespmem:$0x170];
	v46 =	vmul.f32 v37, v1;
	[tilespmem:$0x530] =	vst v42  }
0x51: {  	v51 =	vld [tilespmem:$0x180];
	v48 =	vmul.f32 v39, v0;
	[tilespmem:$0x340] =	vst v44  }
0x52: {  	v54 =	vld [tilespmem:$0xB0];
	v50 =	vmul.f32 v41, v1;
	[tilespmem:$0x540] =	vst v46  }
0x53: {  	v45 =	vld [tilespmem:$0x160];
	v52 =	vmul.f32 v43, v0;
	[tilespmem:$0x350] =	vst v48  }
0x54: {  	v53 =	vld [tilespmem:$0x180];
	v56 =	vmul.f32 v47, v0;
	[tilespmem:$0x550] =	vst v50  }
0x55: {  	v58 =	vmul.f32 v49, v1;
	v63 =	vld [tilespmem:$0x1B0];
	[tilespmem:$0x360] =	vst v52  }
0x56: {  	v60 =	vmul.f32 v51, v0;
	v55 =	vld [tilespmem:$0x190];
	[tilespmem:$0x370] =	vst v56  }
0x57: {  	v3 =	vmul.f32 v1, v54;
	v57 =	vld [tilespmem:$0x190];
	[tilespmem:$0x570] =	vst v58  }
0x58: {  	v54 =	vmul.f32 v45, v1;
	v59 =	vld [tilespmem:$0x1A0];
	[tilespmem:$0x380] =	vst v60  }
0x59: {  	v61 =	vld [tilespmem:$0x1A0];
	[tilespmem:$0x4B0] =	vst v3;
	v62 =	vmul.f32 v53, v1  }
0x5a: {  	v12 =	vld [tilespmem:$0x1B0];
	[tilespmem:$0x560] =	vst v54;
	v19 =	vmul.f32 v63, v0  }
0x5b: {  	v14 =	vld [tilespmem:$0x1C0];
	v11 =	vmul.f32 v55, v0;
	[tilespmem:$0x580] =	vst v62  }
0x5c: {  	v16 =	vld [tilespmem:$0x1C0];
	v13 =	vmul.f32 v57, v1;
	[tilespmem:$0x3B0] =	vst v19  }
0x5d: {  	v18 =	vld [tilespmem:$0x1D0];
	v15 =	vmul.f32 v59, v0;
	[tilespmem:$0x390] =	vst v11  }
0x5e: {  	v20 =	vld [tilespmem:$0x1D0];
	v17 =	vmul.f32 v61, v1;
	[tilespmem:$0x590] =	vst v13  }
0x5f: {  	v22 =	vld [tilespmem:$0x1E0];
	v21 =	vmul.f32 v12, v1;
	[tilespmem:$0x3A0] =	vst v15  }
0x60: {  	v24 =	vld [tilespmem:$0x1E0];
	v23 =	vmul.f32 v14, v0;
	[tilespmem:$0x5A0] =	vst v17  }
0x61: {  	v26 =	vld [tilespmem:$0x1F0];
	v25 =	vmul.f32 v16, v1;
	[tilespmem:$0x5B0] =	vst v21  }
0x62: {  	v28 =	vld [tilespmem:$0x1F0];
	v27 =	vmul.f32 v18, v0;
	[tilespmem:$0x3C0] =	vst v23  }
0x63: {  	v30 =	vld [tilespmem:$0x200];
	v29 =	vmul.f32 v20, v1;
	[tilespmem:$0x5C0] =	vst v25  }
0x64: {  	v32 =	vld [tilespmem:$0x200];
	v31 =	vmul.f32 v22, v0;
	[tilespmem:$0x3D0] =	vst v27  }
0x65: {  	v34 =	vld [tilespmem:$0x210];
	v33 =	vmul.f32 v24, v1;
	[tilespmem:$0x5D0] =	vst v29  }
0x66: {  	v36 =	vld [tilespmem:$0x210];
	v35 =	vmul.f32 v26, v0;
	[tilespmem:$0x3E0] =	vst v31  }
0x67: {  	v38 =	vld [tilespmem:$0x220];
	v37 =	vmul.f32 v28, v1;
	[tilespmem:$0x5E0] =	vst v33  }
0x68: {  	v40 =	vld [tilespmem:$0x220];
	v39 =	vmul.f32 v30, v0;
	[tilespmem:$0x3F0] =	vst v35  }
0x69: {  	v42 =	vld [tilespmem:$0x230];
	v41 =	vmul.f32 v32, v1;
	[tilespmem:$0x5F0] =	vst v37  }
0x6a: {  	v44 =	vld [tilespmem:$0x230];
	v43 =	vmul.f32 v34, v0;
	[tilespmem:$0x400] =	vst v39  }
0x6b: {  	v46 =	vld [tilespmem:$0x240];
	v45 =	vmul.f32 v36, v1;
	[tilespmem:$0x600] =	vst v41  }
0x6c: {  	v48 =	vld [tilespmem:$0x240];
	v47 =	vmul.f32 v38, v0;
	[tilespmem:$0x410] =	vst v43  }
0x6d: {  	v50 =	vld [tilespmem:$0x250];
	v49 =	vmul.f32 v40, v1;
	[tilespmem:$0x610] =	vst v45  }
0x6e: {  	v52 =	vld [tilespmem:$0x250];
	v51 =	vmul.f32 v42, v0;
	[tilespmem:$0x420] =	vst v47  }
0x6f: {  	v56 =	vld [tilespmem:$0x260];
	v53 =	vmul.f32 v44, v1;
	[tilespmem:$0x620] =	vst v49  }
0x70: {  	v60 =	vld [tilespmem:$0x270];
	v55 =	vmul.f32 v46, v0;
	[tilespmem:$0x430] =	vst v51  }
0x71: {  	v54 =	vld [tilespmem:$0x260];
	v57 =	vmul.f32 v48, v1;
	[tilespmem:$0x630] =	vst v53  }
0x72: {  	v58 =	vld [tilespmem:$0x270];
	v59 =	vmul.f32 v50, v0;
	[tilespmem:$0x440] =	vst v55  }
0x73: {  	v61 =	vmul.f32 v52, v1;
	[tilespmem:$0x640] =	vst v57  }
0x74: {  	v63 =	vmul.f32 v56, v1;
	[tilespmem:$0x450] =	vst v59  }
0x75: {  	v1 =	vmul.f32 v60, v1;
	[tilespmem:$0x650] =	vst v61  }
0x76: {  	v62 =	vmul.f32 v54, v0;
	[tilespmem:$0x660] =	vst v63  }
0x77: {  	v0 =	vmul.f32 v58, v0;
	[tilespmem:$0x670] =	vst v1  }
0x78: {  	[tilespmem:$0x460] =	vst v62  }
0x79: {  	s29 =	simm.s32 $0x280;
	s4 =	sadd.s32 s4, s5;
	s5 =	sxor.u32 $0x100, s5;
	[tilespmem:$0x470] =	vst v0  }
0x7a: {  	[hbm4b:s4+s3] =	stream.linear.scatter [tilespmem:s29], [sflag:$0x2], $0x200, $0x38;
	[tilespmem:$0x680] =	vst v63  }
0x7b: {  	s30 =	simm.s32 $0x480;
	s31 =	simm.s32 $0x2;
	s2 =	sadd.s32 s2, s5  }
0x7c: {  	[hbm4b:s2+s3] =	stream.linear.scatter [tilespmem:s30], [sflag:$0x2], $0x200, $0x38;
	[tilespmem:$0x680] =	vst v63  }
0x7d: {  	_ =	swait.ge [sflag:s31], $0x200  }
0x7e: {  	[sflag:s31] =	ssyncset.done $0x0  }
0x7f: {  	[sflag:s31] =	ssyncadd.s32 $0xFFFFFE00  }
0x80: {  	_ =	swait.ge [sflag:s31], $0x200  }
0x81: {  	[sflag:s31] =	ssyncset.done $0x0  }
0x82: {  	[sflag:s31] =	ssyncadd.s32 $0xFFFFFE00  }
0x83: {  	_ =	sfence.sel $0x180000  }
0x84: {  	[bflag:$0x0] =	sbarrier.arrive $0xFFFF  }
0x85: {  	p0 =	sne.s32 s1, $0x0;
	_ =	strace $0x90000047  }
0x86: {  	s0 =	sadd.s32 @!p0 $0x100000, s0;
	[bflag:$0x2] =	sbarrier.arrive $0xFFFF  }
0x87: {  	[sflag:s0] =	ssyncadd.tile.s32 @!p0 $0x1;
	_ =	shalt  }
.Lfunc_end2:
_tile_overlayer_lowered:
.L_overlay_start_2:
0x88: {  	(tag) =	ssettag $0x2  }
0x89: {  	s0 =	rddreg [dreg:$0x0];
	s2 =	stileid.u32  }
0x8a: {  	s1 =	rddreg [dreg:$0x1];
	p0 =	sne.s32 s2, $0x0  }
0x8b: {  	s3 =	rddreg [dreg:$0x2];
	[bflag:$0x3] =	sbarrier.arrive $0xFFFF;
	s2 =	simm.s32 @!p0 $0x1C03  }
0x8c: {  	[timem:s3], [sflag:s2] =	dma.local @!p0 [hbm:s0], s1  }
0x8d: {  	s0 =	simm.s32 @!p0 $0x3  }
0x8e: {  	_ =	swait.ge @!p0 [sflag:s0], s1  }
0x8f: {  	s1 =	ssub.s32 @!p0 $0x0, s1;
	[sflag:s0] =	ssyncset.done @!p0 $0x0  }
0x90: {  	[sflag:s0] =	ssyncadd.s32 @!p0 s1  }
0x91: {  	[bflag:$0x3] =	sbarrier.arrive $0xFFFF  }
0x92: {  	_ =	shalt  }

</sc_bundles>
